<compile_context>
chip_gen: v7x
topology: tpu7x:2x2x1
jax: 0.10.2.dev20260603
libtpu: 0.0.44.dev20260713+nightly
codegen_flags: <defaults>
</compile_context>

<pallas_src>
import functools

import jax
import jax.numpy as jnp
from jax import lax
from jax.experimental import pallas as pl
from jax.experimental.pallas import tpu as pltpu
from jax.experimental.pallas import tpu_sc as plsc

_K = 8192
_D = 256
_N = 9216
_BETA = 0.25

_BN = 8


def _prep_kernel(f_ref, c_ref, fsq_out, csq_out, csqc_out):
    f = f_ref[...]
    c = c_ref[...]
    ones = jnp.ones((1, _D), jnp.float32)
    ff = f * f
    cc = c * c
    fsq_out[...] = lax.dot_general(ones, ff, (((1,), (1,)), ((), ())),
                                   preferred_element_type=jnp.float32)
    csq_out[...] = lax.dot_general(ones, cc, (((1,), (1,)), ((), ())),
                                   preferred_element_type=jnp.float32)
    csqc_out[...] = lax.dot_general(cc, ones, (((1,), (1,)), ((), ())),
                                    preferred_element_type=jnp.float32)


def _prep_call(flat, codebook):
    return pl.pallas_call(
        _prep_kernel,
        grid=(_BN,),
        in_specs=[
            pl.BlockSpec((_N // _BN, _D), lambda i: (i, 0)),
            pl.BlockSpec((_K // _BN, _D), lambda i: (i, 0)),
        ],
        out_specs=[
            pl.BlockSpec((1, _N // _BN), lambda i: (0, i)),
            pl.BlockSpec((1, _K // _BN), lambda i: (0, i)),
            pl.BlockSpec((_K // _BN, 1), lambda i: (i, 0)),
        ],
        out_shape=[
            jax.ShapeDtypeStruct((1, _N), jnp.float32),
            jax.ShapeDtypeStruct((1, _K), jnp.float32),
            jax.ShapeDtypeStruct((_K, 1), jnp.float32),
        ],
        compiler_params=pltpu.CompilerParams(
            dimension_semantics=("arbitrary",)),
    )(flat, codebook)


_BR = 512
_BC = 1024
_NI = _N // _BR
_NJ = _K // _BC


def _argmin_kernel(c_ref, f_ref, fsq_ref, csq_ref, idx_out, bestv, besti):
    j = pl.program_id(1)

    @pl.when(j == 0)
    def _init():
        bestv[...] = jnp.full((_BR,), jnp.inf, jnp.float32)
        besti[...] = jnp.zeros((_BR,), jnp.int32)

    c = c_ref[...]
    f = f_ref[...]
    m = lax.dot_general(c, f, (((1,), (1,)), ((), ())),
                        preferred_element_type=jnp.float32)
    d = (fsq_ref[...] - 2.0 * m) + csq_ref[...]
    bm = jnp.min(d, axis=0)
    row = lax.broadcasted_iota(jnp.int32, (_BC, _BR), 0)
    bi = jnp.min(jnp.where(d == bm[None, :], row, jnp.int32(2 ** 30)),
                 axis=0) + j * _BC
    upd = bm < bestv[...]
    besti[...] = jnp.where(upd, bi, besti[...])
    bestv[...] = jnp.where(upd, bm, bestv[...])

    @pl.when(j == _NJ - 1)
    def _flush():
        idx_out[...] = besti[...]


def _argmin_call(codebook, flat, fsq, csq_col):
    return pl.pallas_call(
        _argmin_kernel,
        grid=(_NI, _NJ),
        in_specs=[
            pl.BlockSpec((_BC, _D), lambda i, j: (j, 0)),
            pl.BlockSpec((_BR, _D), lambda i, j: (i, 0)),
            pl.BlockSpec((1, _BR), lambda i, j: (0, i)),
            pl.BlockSpec((_BC, 1), lambda i, j: (j, 0)),
        ],
        out_specs=pl.BlockSpec((_BR,), lambda i, j: (i,)),
        out_shape=jax.ShapeDtypeStruct((_N,), jnp.int32),
        scratch_shapes=[
            pltpu.VMEM((_BR,), jnp.float32),
            pltpu.VMEM((_BR,), jnp.int32),
        ],
        compiler_params=pltpu.CompilerParams(
            dimension_semantics=("parallel", "arbitrary")),
    )(codebook, flat, fsq, csq_col)


_BP = 1024
_NT = _K // _BP
_NSTEP = _NT * (_NT + 1) // 2


def _pair_kernel(im_ref, jm_ref, ca_ref, cb_ref, asq_ref, bsq_ref,
                 sum_out, min_out, acc):
    t = pl.program_id(0)

    @pl.when(t == 0)
    def _init():
        acc[0] = 0.0
        acc[1] = jnp.inf

    a = ca_ref[...]
    b = cb_ref[...]
    m = lax.dot_general(a, b, (((1,), (1,)), ((), ())),
                        preferred_element_type=jnp.float32)
    d2 = jnp.maximum((asq_ref[...] + bsq_ref[...]) - 2.0 * m, 0.0)
    diag = im_ref[t] == jm_ref[t]
    rid = lax.broadcasted_iota(jnp.int32, (_BP, _BP), 0)
    cid = lax.broadcasted_iota(jnp.int32, (_BP, _BP), 1)
    eye = (rid == cid) & diag
    d = jnp.sqrt(jnp.where(eye, 1.0, d2))
    dm = jnp.where(eye, 0.0, d)
    bsum = jnp.sum(dm)
    bmin = jnp.min(jnp.where(eye, jnp.inf, d))
    acc[0] = acc[0] + jnp.where(diag, bsum, 2.0 * bsum)
    acc[1] = jnp.minimum(acc[1], bmin)

    @pl.when(t == _NSTEP - 1)
    def _flush():
        sum_out[0] = acc[0] / (_K * (_K - 1))
        min_out[0] = acc[1]


def _pair_call(codebook, csq, csq_col, imap, jmap):
    grid_spec = pltpu.PrefetchScalarGridSpec(
        num_scalar_prefetch=2,
        grid=(_NSTEP,),
        in_specs=[
            pl.BlockSpec((_BP, _D), lambda t, im, jm: (im[t], 0)),
            pl.BlockSpec((_BP, _D), lambda t, im, jm: (jm[t], 0)),
            pl.BlockSpec((_BP, 1), lambda t, im, jm: (im[t], 0)),
            pl.BlockSpec((1, _BP), lambda t, im, jm: (0, jm[t])),
        ],
        out_specs=[
            pl.BlockSpec(memory_space=pltpu.SMEM),
            pl.BlockSpec(memory_space=pltpu.SMEM),
        ],
        scratch_shapes=[pltpu.SMEM((2,), jnp.float32)],
    )
    return pl.pallas_call(
        _pair_kernel,
        grid_spec=grid_spec,
        out_shape=[
            jax.ShapeDtypeStruct((1,), jnp.float32),
            jax.ShapeDtypeStruct((1,), jnp.float32),
        ],
        compiler_params=pltpu.CompilerParams(
            dimension_semantics=("arbitrary",)),
    )(imap, jmap, codebook, codebook, csq_col, csq)


_NC = 2
_NS = 16
_NW = _NC * _NS
_BPW = _N // _NW
_CH = 96
_NCH = _BPW // _CH


def _sc_gather_kernel(cb_hbm, idx_hbm, q_hbm, cnt_hbm,
                      idx_v, rows_v, ones_v, zbuf, cnt_sh, sem):
    c = lax.axis_index("c")
    s = lax.axis_index("s")
    wid = c * _NS + s

    @pl.when(s == 0)
    def _zero():
        def zb(kk, _):
            zbuf[pl.ds(kk * 16, 16)] = jnp.zeros((16,), jnp.float32)
            return 0
        lax.fori_loop(0, _K // 16, zb, 0)
        pltpu.sync_copy(zbuf, cnt_sh)

    def ob(kk, _):
        ones_v[pl.ds(kk * 16, 16)] = jnp.ones((16,), jnp.float32)
        return 0
    lax.fori_loop(0, _CH // 16, ob, 0)

    pltpu.sync_copy(idx_hbm.at[wid], idx_v)
    cps = [pltpu.async_copy(cb_hbm.at[idx_v.at[j]],
                            rows_v.at[pl.ds(j * _CH, _CH)], sem)
           for j in range(_NCH)]
    for cp in cps:
        cp.wait()
    pltpu.sync_copy(rows_v, q_hbm.at[pl.ds(wid * _BPW, _BPW)])
    plsc.subcore_barrier()
    for j in range(_NCH):
        pltpu.sync_copy(ones_v, cnt_sh.at[idx_v.at[j]], add=True)
    plsc.subcore_barrier()

    @pl.when(s == 0)
    def _flush():
        pltpu.sync_copy(cnt_sh, cnt_hbm.at[c])


def _sc_gather_call(codebook, idx3d):
    mesh = plsc.VectorSubcoreMesh(core_axis_name="c", subcore_axis_name="s")
    f = functools.partial(
        pl.kernel,
        mesh=mesh,
        out_type=[
            jax.ShapeDtypeStruct((_N, _D), jnp.float32),
            jax.ShapeDtypeStruct((_NC, _K), jnp.float32),
        ],
        scratch_types=[
            pltpu.VMEM((_NCH, _CH), jnp.int32),
            pltpu.VMEM((_BPW, _D), jnp.float32),
            pltpu.VMEM((_CH,), jnp.float32),
            pltpu.VMEM((_K,), jnp.float32),
            pltpu.VMEM_SHARED((_K,), jnp.float32),
            pltpu.SemaphoreType.DMA,
        ],
    )(_sc_gather_kernel)
    return f(codebook, idx3d)


_BG = 1024
_NG = _N // _BG


def _fused_kernel(f_ref, q_ref, cnt_ref, qst_out, com_out, cbl_out, cos_out,
                  ppl_out, acc):
    i = pl.program_id(0)

    @pl.when(i == 0)
    def _init():
        acc[0] = 0.0
        acc[1] = 0.0

    l = f_ref[...]
    q = q_ref[...]
    qst_out[...] = l + (q - l)
    diff = l - q
    ones = jnp.ones((1, _D), jnp.float32)

    def rowdot(x):
        return lax.dot_general(ones, x, (((1,), (1,)), ((), ())),
                               preferred_element_type=jnp.float32)

    acc[0] = acc[0] + jnp.sum(rowdot(diff * diff))
    ln = jnp.sqrt(rowdot(l * l))
    qn = jnp.sqrt(rowdot(q * q))
    cos = rowdot(l * q) / (jnp.maximum(ln, 1e-12) * jnp.maximum(qn, 1e-12))
    acc[1] = acc[1] + jnp.sum(cos)

    @pl.when(i == _NG - 1)
    def _flush():
        mse = acc[0] / (_N * _D)
        com_out[0] = _BETA * mse
        cbl_out[0] = mse
        cos_out[0] = acc[1] / _N
        cnt = cnt_ref[...]
        p = (cnt[0] + cnt[1]) / _N
        ent = jnp.sum(p * jnp.log(p + 1e-10))
        ppl = jnp.exp(jnp.broadcast_to(-ent, (8, 128)))
        ppl_out[0] = ppl[0, 0]


def _fused_call(flat, qflat, counts):
    return pl.pallas_call(
        _fused_kernel,
        grid=(_NG,),
        in_specs=[
            pl.BlockSpec((_BG, _D), lambda i: (i, 0)),
            pl.BlockSpec((_BG, _D), lambda i: (i, 0)),
            pl.BlockSpec((_NC, _K), lambda i: (0, 0)),
        ],
        out_specs=[
            pl.BlockSpec((_BG, _D), lambda i: (i, 0)),
            pl.BlockSpec(memory_space=pltpu.SMEM),
            pl.BlockSpec(memory_space=pltpu.SMEM),
            pl.BlockSpec(memory_space=pltpu.SMEM),
            pl.BlockSpec(memory_space=pltpu.SMEM),
        ],
        out_shape=[
            jax.ShapeDtypeStruct((_N, _D), jnp.float32),
            jax.ShapeDtypeStruct((1,), jnp.float32),
            jax.ShapeDtypeStruct((1,), jnp.float32),
            jax.ShapeDtypeStruct((1,), jnp.float32),
            jax.ShapeDtypeStruct((1,), jnp.float32),
        ],
        scratch_shapes=[
            pltpu.SMEM((2,), jnp.float32),
        ],
        compiler_params=pltpu.CompilerParams(
            dimension_semantics=("arbitrary",)),
    )(flat, qflat, counts)


def kernel(latent, codebook):
    B, S, D = latent.shape
    flat = latent.reshape(-1, D)
    fsq, csq, csq_col = _prep_call(flat, codebook)
    indices = _argmin_call(codebook, flat, fsq, csq_col)
    qflat, counts = _sc_gather_call(codebook, indices.reshape(_NW, _NCH, _CH))
    pairs = [(i, j) for i in range(_NT) for j in range(i, _NT)]
    imap = jnp.asarray([p[0] for p in pairs], jnp.int32)
    jmap = jnp.asarray([p[1] for p in pairs], jnp.int32)
    avg_e, min_e = _pair_call(codebook, csq, csq_col, imap, jmap)
    qst, com, cbl, cos, ppl = _fused_call(flat, qflat, counts)
    return (
        qst.reshape(B, S, D),
        indices,
        com.reshape(()),
        cbl.reshape(()),
        ppl.reshape(()),
        cos.reshape(()),
        avg_e.reshape(()),
        min_e.reshape(()),
    )

# --- scband reference (transcript-rebuilt; emitter-appended) ---
"""Pipeline reference for scband-vector-quantizer-8778913153325 (READ-ONLY COPY).

The authoritative reference and input builder live on the scoring server;
editing this copy changes nothing except your own understanding.
"""

import jax, jax.numpy as jnp
import numpy as np

NUM_TOKENS = 8192
LATENT_DIM = 256
BETA = 0.25
TEMP = 1.0


def setup_inputs(seed: int = 0):
    key = jax.random.key(seed)
    k1, k2 = jax.random.split(key)
    latent = jax.random.normal(k1, (16, 576, 256), dtype=jnp.float32)
    codebook = jax.random.uniform(k2, (NUM_TOKENS, LATENT_DIM), dtype=jnp.float32, minval=-1.0 / NUM_TOKENS, maxval=1.0 / NUM_TOKENS)
    return {"latent": latent, "codebook": codebook}


def _normalize(x, eps=1e-12):
    n = jnp.linalg.norm(x, axis=-1, keepdims=True)
    return x / jnp.maximum(n, eps)


def reference(latent, codebook):
    B, S, D = latent.shape
    flat = latent.reshape(-1, D)
    ln = _normalize(flat)
    cn = _normalize(codebook)
    cosine_sim = ln @ cn.T
    distances = jnp.sum(flat ** 2, axis=1, keepdims=True) - 2.0 * (flat @ codebook.T) + jnp.sum(codebook ** 2, axis=1)
    scaled = distances / max(TEMP, 1e-05)
    soft = jax.nn.softmax(-scaled, axis=-1)
    indices = jnp.argmax(soft, axis=-1)
    hard = jax.nn.one_hot(indices, NUM_TOKENS, dtype=jnp.float32)
    assign = hard + soft - jax.lax.stop_gradient(soft)
    selected_cos = jnp.mean(cosine_sim[jnp.arange(flat.shape[0]), indices])
    cb_sq = jnp.sum(codebook ** 2, axis=1)
    d2 = jnp.clip(cb_sq[:, None] + cb_sq[None, :] - 2.0 * (codebook @ codebook.T), 0.0, None)
    eye = jnp.eye(NUM_TOKENS, dtype=bool)
    d = jnp.sqrt(jnp.where(eye, 1.0, d2))
    avg_euclidean = jnp.sum(jnp.where(eye, 0.0, d)) / (NUM_TOKENS * (NUM_TOKENS - 1))
    min_euclidean = jnp.min(jnp.where(eye, jnp.inf, d))
    quantized = (assign @ codebook).reshape(B, S, D)
    commitment_loss = BETA * jnp.mean((jax.lax.stop_gradient(latent) - quantized) ** 2)
    codebook_loss = jnp.mean((latent - jax.lax.stop_gradient(quantized)) ** 2)
    quantized_st = latent + jax.lax.stop_gradient(quantized - latent)
    avg_probs = jnp.mean(hard, axis=0)
    perplexity = jnp.exp(-jnp.sum(avg_probs * jnp.log(avg_probs + 1e-10)))
    return (quantized_st, indices, commitment_loss, codebook_loss, perplexity, selected_cos, avg_euclidean, min_euclidean)

if __name__ == "__main__":
    import jax
    _d = setup_inputs()
    print(jax.jit(kernel)(*tuple(_d.values())))

</pallas_src>

<mosaic_0001>
#map = affine_map<(d0, d1) -> (0, 0)>
#map1 = affine_map<(d0, d1) -> (0, 0, 0)>
module attributes {stable_mosaic.version = 14 : i64} {
  func.func @_sc_gather_kernel(%arg0: i32, %arg1: i32, %arg2: memref<8192x256xf32, #tpu.memory_space<hbm>>, %arg3: memref<32x3x96xi32, #tpu.memory_space<hbm>>, %arg4: memref<9216x256xf32, #tpu.memory_space<hbm>>, %arg5: memref<2x8192xf32, #tpu.memory_space<hbm>>, %arg6: memref<3x96xi32, #tpu.memory_space<vmem>>, %arg7: memref<288x256xf32, #tpu.memory_space<vmem>>, %arg8: memref<96xf32, #tpu.memory_space<vmem>>, %arg9: memref<8192xf32, #tpu.memory_space<vmem>>, %arg10: memref<8192xf32, #tpu.memory_space<vmem_shared>>, %arg11: memref<!tpu.dma_semaphore, #tpu.memory_space<semaphore_mem>>) attributes {dimension_semantics = [#tpu.dimension_semantics<core_parallel>, #tpu.dimension_semantics<subcore_parallel>], iteration_bounds = array<i64: 2, 16>, scalar_prefetch = 0 : i64, scratch_operands = 6 : i64, tpu.core_type = #tpu.core_type<sc_vector_subcore>, window_params = [{transform_indices = #map}, {transform_indices = #map1}, {transform_indices = #map}, {transform_indices = #map}]} {
    %mul3A = arith.constant 16 : i32
    %mul3A_0 = arith.muli %arg0, %mul3A : i32
    %add3A = arith.addi %mul3A_0, %arg1 : i32
    %eq3A = arith.constant 0 : i32
    %eq3A_1 = arith.cmpi eq, %arg1, %eq3A : i32
    %convert_element_type3A = arith.extui %eq3A_1 : i1 to i32
    %cond3A = arith.constant 0 : i32
    %cond3A_2 = arith.cmpi ne, %convert_element_type3A, %cond3A : i32
    scf.if %cond3A_2 {
      %scan3A_77 = arith.constant 0 : i32
      %scan3A_78 = arith.constant 0 : i32
      %scan3A_79 = arith.constant 512 : i32
      %scan3A_80 = arith.addi %scan3A_78, %scan3A_79 : i32
      %scan3A_81 = arith.constant 1 : i32
      %scan3A_82 = scf.for %scan3A_84 = %scan3A_78 to %scan3A_80 step %scan3A_81 iter_args(%scan3A_85 = %scan3A_77) -> (i32)  : i32 {
        %broadcast_in_dim3A = arith.constant 0.000000e+00 : f32
        %broadcast_in_dim3A_86 = vector.broadcast %broadcast_in_dim3A : f32 to vector<16xf32>
        %mul3A_87 = arith.constant 16 : i32
        %mul3A_88 = arith.muli %scan3A_84, %mul3A_87 : i32
        %swap3A = arith.index_cast %mul3A_88 : i32 to index
        %swap3A_89 = tpu.vector_load %arg9[%swap3A] {strides = array<i32>} : memref<8192xf32, #tpu.memory_space<vmem>>, vector<16xf32>,
        %swap3A_90 = vector.shape_cast %swap3A_89 : vector<16xf32> to vector<16xf32>
        %swap3A_91 = vector.shape_cast %broadcast_in_dim3A_86 : vector<16xf32> to vector<16xf32>
        tpu.vector_store %arg9[%swap3A], %swap3A_91 {strides = array<i32>} : memref<8192xf32, #tpu.memory_space<vmem>>, vector<16xf32>,
        %scan3A_92 = arith.constant 0 : i32
        scf.yield %scan3A_92 : i32
      }
      %scan3A_83 = arith.constant 512 : i32
      "tpu.region"() ({
        %run_scoped3A_84 = tpu.sem_alloc : memref<!tpu.dma_semaphore, #tpu.memory_space<semaphore_mem>>
        tpu.enqueue_dma source(%arg9 : memref<8192xf32, #tpu.memory_space<vmem>>) target(%arg10 : memref<8192xf32, #tpu.memory_space<vmem_shared>>) target_semaphore(%run_scoped3A_84 : memref<!tpu.dma_semaphore, #tpu.memory_space<semaphore_mem>>)
        tpu.wait_dma2 semaphore(%run_scoped3A_84 : memref<!tpu.dma_semaphore, #tpu.memory_space<semaphore_mem>>) src(%arg9 : memref<8192xf32, #tpu.memory_space<vmem>>) dst(%arg10 : memref<8192xf32, #tpu.memory_space<vmem_shared>>)
        tpu.yield
      }) : () -> ()
    } else {
    }
    %scan3A = arith.constant 0 : i32
    %scan3A_3 = arith.constant 0 : i32
    %scan3A_4 = arith.constant 6 : i32
    %scan3A_5 = arith.addi %scan3A_3, %scan3A_4 : i32
    %scan3A_6 = arith.constant 1 : i32
    %scan3A_7 = scf.for %scan3A_77 = %scan3A_3 to %scan3A_5 step %scan3A_6 iter_args(%scan3A_78 = %scan3A) -> (i32)  : i32 {
      %broadcast_in_dim3A = arith.constant 1.000000e+00 : f32
      %broadcast_in_dim3A_79 = vector.broadcast %broadcast_in_dim3A : f32 to vector<16xf32>
      %mul3A_80 = arith.constant 16 : i32
      %mul3A_81 = arith.muli %scan3A_77, %mul3A_80 : i32
      %swap3A = arith.index_cast %mul3A_81 : i32 to index
      %swap3A_82 = tpu.vector_load %arg8[%swap3A] {strides = array<i32>} : memref<96xf32, #tpu.memory_space<vmem>>, vector<16xf32>,
      %swap3A_83 = vector.shape_cast %swap3A_82 : vector<16xf32> to vector<16xf32>
      %swap3A_84 = vector.shape_cast %broadcast_in_dim3A_79 : vector<16xf32> to vector<16xf32>
      tpu.vector_store %arg8[%swap3A], %swap3A_84 {strides = array<i32>} : memref<96xf32, #tpu.memory_space<vmem>>, vector<16xf32>,
      %scan3A_85 = arith.constant 0 : i32
      scf.yield %scan3A_85 : i32
    }
    %scan3A_8 = arith.constant 6 : i32
    "tpu.region"() ({
      %run_scoped3A_77 = tpu.sem_alloc : memref<!tpu.dma_semaphore, #tpu.memory_space<semaphore_mem>>
      %dma_start3A_78 = arith.constant 0 : i32
      %dma_start3A_79 = arith.constant 0 : i32
      %dma_start3A_80 = tpu.memref_slice %arg3[%add3A, %dma_start3A_78, %dma_start3A_79] : memref<32x3x96xi32, #tpu.memory_space<hbm>> -> memref<1x3x96xi32, #tpu.memory_space<hbm>>
      %dma_start3A_81 = tpu.memref_squeeze %dma_start3A_80 : memref<1x3x96xi32, #tpu.memory_space<hbm>> -> memref<3x96xi32, #tpu.memory_space<hbm>>
      %dma_start3A_82 = arith.constant 0 : i32
      %dma_start3A_83 = arith.constant 0 : i32
      %dma_start3A_84 = tpu.memref_slice %arg3[%add3A, %dma_start3A_82, %dma_start3A_83] : memref<32x3x96xi32, #tpu.memory_space<hbm>> -> memref<1x3x96xi32, #tpu.memory_space<hbm>>
      %dma_start3A_85 = tpu.memref_squeeze %dma_start3A_84 : memref<1x3x96xi32, #tpu.memory_space<hbm>> -> memref<3x96xi32, #tpu.memory_space<hbm>>
      tpu.enqueue_dma source(%dma_start3A_85 : memref<3x96xi32, #tpu.memory_space<hbm>>) target(%arg6 : memref<3x96xi32, #tpu.memory_space<vmem>>) target_semaphore(%run_scoped3A_77 : memref<!tpu.dma_semaphore, #tpu.memory_space<semaphore_mem>>)
      %dma_wait3A_86 = arith.constant 0 : i32
      %dma_wait3A_87 = arith.constant 0 : i32
      %dma_wait3A_88 = tpu.memref_slice %arg3[%add3A, %dma_wait3A_86, %dma_wait3A_87] : memref<32x3x96xi32, #tpu.memory_space<hbm>> -> memref<1x3x96xi32, #tpu.memory_space<hbm>>
      %dma_wait3A_89 = tpu.memref_squeeze %dma_wait3A_88 : memref<1x3x96xi32, #tpu.memory_space<hbm>> -> memref<3x96xi32, #tpu.memory_space<hbm>>
      %dma_wait3A_90 = arith.constant 0 : i32
      %dma_wait3A_91 = arith.constant 0 : i32
      %dma_wait3A_92 = tpu.memref_slice %arg3[%add3A, %dma_wait3A_90, %dma_wait3A_91] : memref<32x3x96xi32, #tpu.memory_space<hbm>> -> memref<1x3x96xi32, #tpu.memory_space<hbm>>
      %dma_wait3A_93 = tpu.memref_squeeze %dma_wait3A_92 : memref<1x3x96xi32, #tpu.memory_space<hbm>> -> memref<3x96xi32, #tpu.memory_space<hbm>>
      tpu.wait_dma2 semaphore(%run_scoped3A_77 : memref<!tpu.dma_semaphore, #tpu.memory_space<semaphore_mem>>) src(%dma_wait3A_93 : memref<3x96xi32, #tpu.memory_space<hbm>>) dst(%arg6 : memref<3x96xi32, #tpu.memory_space<vmem>>)
      tpu.yield
    }) : () -> ()
    %dma_start3A = arith.constant 0 : i32
    %dma_start3A_9 = arith.constant 0 : i32
    %dma_start3A_10 = arith.constant 0 : i32
    %dma_start3A_11 = tpu.memref_slice %arg7[%dma_start3A_9, %dma_start3A_10] : memref<288x256xf32, #tpu.memory_space<vmem>> -> memref<96x256xf32, #tpu.memory_space<vmem>>
    %dma_start3A_12 = arith.constant 0 : i32
    %dma_start3A_13 = tpu.memref_slice %arg6[%dma_start3A, %dma_start3A_12] : memref<3x96xi32, #tpu.memory_space<vmem>> -> memref<1x96xi32, #tpu.memory_space<vmem>>
    %dma_start3A_14 = tpu.memref_squeeze %dma_start3A_13 : memref<1x96xi32, #tpu.memory_space<vmem>> -> memref<96xi32, #tpu.memory_space<vmem>>
    %dma_start3A_15 = arith.constant 0 : i32
    %dma_start3A_16 = arith.constant 0 : i32
    %dma_start3A_17 = tpu.memref_slice %arg2[%dma_start3A_15, %dma_start3A_16] : memref<8192x256xf32, #tpu.memory_space<hbm>> -> memref<8192x256xf32, #tpu.memory_space<hbm>>
    tpu.enqueue_indirect_dma source(%dma_start3A_17 : memref<8192x256xf32, #tpu.memory_space<hbm>>) target(%dma_start3A_11 : memref<96x256xf32, #tpu.memory_space<vmem>>) offsets(%dma_start3A_14 : memref<96xi32, #tpu.memory_space<vmem>>) semaphore(%arg11 : memref<!tpu.dma_semaphore, #tpu.memory_space<semaphore_mem>>)
    %dma_start3A_18 = arith.constant 1 : i32
    %dma_start3A_19 = arith.constant 96 : i32
    %dma_start3A_20 = arith.constant 0 : i32
    %dma_start3A_21 = tpu.memref_slice %arg7[%dma_start3A_19, %dma_start3A_20] : memref<288x256xf32, #tpu.memory_space<vmem>> -> memref<96x256xf32, #tpu.memory_space<vmem>>
    %dma_start3A_22 = arith.constant 0 : i32
    %dma_start3A_23 = tpu.memref_slice %arg6[%dma_start3A_18, %dma_start3A_22] : memref<3x96xi32, #tpu.memory_space<vmem>> -> memref<1x96xi32, #tpu.memory_space<vmem>>
    %dma_start3A_24 = tpu.memref_squeeze %dma_start3A_23 : memref<1x96xi32, #tpu.memory_space<vmem>> -> memref<96xi32, #tpu.memory_space<vmem>>
    %dma_start3A_25 = arith.constant 0 : i32
    %dma_start3A_26 = arith.constant 0 : i32
    %dma_start3A_27 = tpu.memref_slice %arg2[%dma_start3A_25, %dma_start3A_26] : memref<8192x256xf32, #tpu.memory_space<hbm>> -> memref<8192x256xf32, #tpu.memory_space<hbm>>
    tpu.enqueue_indirect_dma source(%dma_start3A_27 : memref<8192x256xf32, #tpu.memory_space<hbm>>) target(%dma_start3A_21 : memref<96x256xf32, #tpu.memory_space<vmem>>) offsets(%dma_start3A_24 : memref<96xi32, #tpu.memory_space<vmem>>) semaphore(%arg11 : memref<!tpu.dma_semaphore, #tpu.memory_space<semaphore_mem>>)
    %dma_start3A_28 = arith.constant 2 : i32
    %dma_start3A_29 = arith.constant 192 : i32
    %dma_start3A_30 = arith.constant 0 : i32
    %dma_start3A_31 = tpu.memref_slice %arg7[%dma_start3A_29, %dma_start3A_30] : memref<288x256xf32, #tpu.memory_space<vmem>> -> memref<96x256xf32, #tpu.memory_space<vmem>>
    %dma_start3A_32 = arith.constant 0 : i32
    %dma_start3A_33 = tpu.memref_slice %arg6[%dma_start3A_28, %dma_start3A_32] : memref<3x96xi32, #tpu.memory_space<vmem>> -> memref<1x96xi32, #tpu.memory_space<vmem>>
    %dma_start3A_34 = tpu.memref_squeeze %dma_start3A_33 : memref<1x96xi32, #tpu.memory_space<vmem>> -> memref<96xi32, #tpu.memory_space<vmem>>
    %dma_start3A_35 = arith.constant 0 : i32
    %dma_start3A_36 = arith.constant 0 : i32
    %dma_start3A_37 = tpu.memref_slice %arg2[%dma_start3A_35, %dma_start3A_36] : memref<8192x256xf32, #tpu.memory_space<hbm>> -> memref<8192x256xf32, #tpu.memory_space<hbm>>
    tpu.enqueue_indirect_dma source(%dma_start3A_37 : memref<8192x256xf32, #tpu.memory_space<hbm>>) target(%dma_start3A_31 : memref<96x256xf32, #tpu.memory_space<vmem>>) offsets(%dma_start3A_34 : memref<96xi32, #tpu.memory_space<vmem>>) semaphore(%arg11 : memref<!tpu.dma_semaphore, #tpu.memory_space<semaphore_mem>>)
    %dma_wait3A = arith.constant 0 : i32
    %dma_wait3A_38 = arith.constant 0 : i32
    %dma_wait3A_39 = arith.constant 0 : i32
    %dma_wait3A_40 = tpu.memref_slice %arg7[%dma_wait3A_38, %dma_wait3A_39] : memref<288x256xf32, #tpu.memory_space<vmem>> -> memref<96x256xf32, #tpu.memory_space<vmem>>
    %dma_wait3A_41 = arith.constant 0 : i32
    %dma_wait3A_42 = tpu.memref_slice %arg6[%dma_wait3A, %dma_wait3A_41] : memref<3x96xi32, #tpu.memory_space<vmem>> -> memref<1x96xi32, #tpu.memory_space<vmem>>
    %dma_wait3A_43 = tpu.memref_squeeze %dma_wait3A_42 : memref<1x96xi32, #tpu.memory_space<vmem>> -> memref<96xi32, #tpu.memory_space<vmem>>
    %dma_wait3A_44 = arith.constant 0 : i32
    %dma_wait3A_45 = arith.constant 0 : i32
    %dma_wait3A_46 = tpu.memref_slice %arg2[%dma_wait3A_44, %dma_wait3A_45] : memref<8192x256xf32, #tpu.memory_space<hbm>> -> memref<8192x256xf32, #tpu.memory_space<hbm>>
    tpu.wait_indirect_dma semaphore(%arg11 : memref<!tpu.dma_semaphore, #tpu.memory_space<semaphore_mem>>) src(%dma_wait3A_46 : memref<8192x256xf32, #tpu.memory_space<hbm>>) dst(%dma_wait3A_40 : memref<96x256xf32, #tpu.memory_space<vmem>>)
    %dma_wait3A_47 = arith.constant 1 : i32
    %dma_wait3A_48 = arith.constant 96 : i32
    %dma_wait3A_49 = arith.constant 0 : i32
    %dma_wait3A_50 = tpu.memref_slice %arg7[%dma_wait3A_48, %dma_wait3A_49] : memref<288x256xf32, #tpu.memory_space<vmem>> -> memref<96x256xf32, #tpu.memory_space<vmem>>
    %dma_wait3A_51 = arith.constant 0 : i32
    %dma_wait3A_52 = tpu.memref_slice %arg6[%dma_wait3A_47, %dma_wait3A_51] : memref<3x96xi32, #tpu.memory_space<vmem>> -> memref<1x96xi32, #tpu.memory_space<vmem>>
    %dma_wait3A_53 = tpu.memref_squeeze %dma_wait3A_52 : memref<1x96xi32, #tpu.memory_space<vmem>> -> memref<96xi32, #tpu.memory_space<vmem>>
    %dma_wait3A_54 = arith.constant 0 : i32
    %dma_wait3A_55 = arith.constant 0 : i32
    %dma_wait3A_56 = tpu.memref_slice %arg2[%dma_wait3A_54, %dma_wait3A_55] : memref<8192x256xf32, #tpu.memory_space<hbm>> -> memref<8192x256xf32, #tpu.memory_space<hbm>>
    tpu.wait_indirect_dma semaphore(%arg11 : memref<!tpu.dma_semaphore, #tpu.memory_space<semaphore_mem>>) src(%dma_wait3A_56 : memref<8192x256xf32, #tpu.memory_space<hbm>>) dst(%dma_wait3A_50 : memref<96x256xf32, #tpu.memory_space<vmem>>)
    %dma_wait3A_57 = arith.constant 2 : i32
    %dma_wait3A_58 = arith.constant 192 : i32
    %dma_wait3A_59 = arith.constant 0 : i32
    %dma_wait3A_60 = tpu.memref_slice %arg7[%dma_wait3A_58, %dma_wait3A_59] : memref<288x256xf32, #tpu.memory_space<vmem>> -> memref<96x256xf32, #tpu.memory_space<vmem>>
    %dma_wait3A_61 = arith.constant 0 : i32
    %dma_wait3A_62 = tpu.memref_slice %arg6[%dma_wait3A_57, %dma_wait3A_61] : memref<3x96xi32, #tpu.memory_space<vmem>> -> memref<1x96xi32, #tpu.memory_space<vmem>>
    %dma_wait3A_63 = tpu.memref_squeeze %dma_wait3A_62 : memref<1x96xi32, #tpu.memory_space<vmem>> -> memref<96xi32, #tpu.memory_space<vmem>>
    %dma_wait3A_64 = arith.constant 0 : i32
    %dma_wait3A_65 = arith.constant 0 : i32
    %dma_wait3A_66 = tpu.memref_slice %arg2[%dma_wait3A_64, %dma_wait3A_65] : memref<8192x256xf32, #tpu.memory_space<hbm>> -> memref<8192x256xf32, #tpu.memory_space<hbm>>
    tpu.wait_indirect_dma semaphore(%arg11 : memref<!tpu.dma_semaphore, #tpu.memory_space<semaphore_mem>>) src(%dma_wait3A_66 : memref<8192x256xf32, #tpu.memory_space<hbm>>) dst(%dma_wait3A_60 : memref<96x256xf32, #tpu.memory_space<vmem>>)
    %mul3A_67 = arith.constant 288 : i32
    %mul3A_68 = arith.muli %add3A, %mul3A_67 : i32
    "tpu.region"() ({
      %run_scoped3A_77 = tpu.sem_alloc : memref<!tpu.dma_semaphore, #tpu.memory_space<semaphore_mem>>
      %dma_start3A_78 = arith.constant 0 : i32
      %dma_start3A_79 = tpu.memref_slice %arg4[%mul3A_68, %dma_start3A_78] : memref<9216x256xf32, #tpu.memory_space<hbm>> -> memref<288x256xf32, #tpu.memory_space<hbm>>
      %dma_start3A_80 = arith.constant 0 : i32
      %dma_start3A_81 = tpu.memref_slice %arg4[%mul3A_68, %dma_start3A_80] : memref<9216x256xf32, #tpu.memory_space<hbm>> -> memref<288x256xf32, #tpu.memory_space<hbm>>
      tpu.enqueue_dma source(%arg7 : memref<288x256xf32, #tpu.memory_space<vmem>>) target(%dma_start3A_81 : memref<288x256xf32, #tpu.memory_space<hbm>>) target_semaphore(%run_scoped3A_77 : memref<!tpu.dma_semaphore, #tpu.memory_space<semaphore_mem>>)
      %dma_wait3A_82 = arith.constant 0 : i32
      %dma_wait3A_83 = tpu.memref_slice %arg4[%mul3A_68, %dma_wait3A_82] : memref<9216x256xf32, #tpu.memory_space<hbm>> -> memref<288x256xf32, #tpu.memory_space<hbm>>
      %dma_wait3A_84 = arith.constant 0 : i32
      %dma_wait3A_85 = tpu.memref_slice %arg4[%mul3A_68, %dma_wait3A_84] : memref<9216x256xf32, #tpu.memory_space<hbm>> -> memref<288x256xf32, #tpu.memory_space<hbm>>
      tpu.wait_dma2 semaphore(%run_scoped3A_77 : memref<!tpu.dma_semaphore, #tpu.memory_space<semaphore_mem>>) src(%arg7 : memref<288x256xf32, #tpu.memory_space<vmem>>) dst(%dma_wait3A_85 : memref<288x256xf32, #tpu.memory_space<hbm>>)
      tpu.yield
    }) : () -> ()
    %barrier3A = arith.constant 0 : index
    tpu.barrier barrier_id(%barrier3A)
    %run_scoped3A = arith.constant 0 : i32
    "tpu.region"() ({
      %run_scoped3A_77 = tpu.sem_alloc : memref<!tpu.dma_semaphore, #tpu.memory_space<semaphore_mem>>
      %dma_start3A_78 = arith.constant 0 : i32
      %dma_start3A_79 = tpu.memref_slice %arg6[%run_scoped3A, %dma_start3A_78] : memref<3x96xi32, #tpu.memory_space<vmem>> -> memref<1x96xi32, #tpu.memory_space<vmem>>
      %dma_start3A_80 = tpu.memref_squeeze %dma_start3A_79 : memref<1x96xi32, #tpu.memory_space<vmem>> -> memref<96xi32, #tpu.memory_space<vmem>>
      %dma_start3A_81 = arith.constant 0 : i32
      %dma_start3A_82 = tpu.memref_slice %arg10[%dma_start3A_81] : memref<8192xf32, #tpu.memory_space<vmem_shared>> -> memref<8192xf32, #tpu.memory_space<vmem_shared>>
      tpu.enqueue_indirect_dma source(%arg8 : memref<96xf32, #tpu.memory_space<vmem>>) target(%dma_start3A_82 : memref<8192xf32, #tpu.memory_space<vmem_shared>>) offsets(%dma_start3A_80 : memref<96xi32, #tpu.memory_space<vmem>>) semaphore(%run_scoped3A_77 : memref<!tpu.dma_semaphore, #tpu.memory_space<semaphore_mem>>) {add = true}
      %dma_wait3A_83 = arith.constant 0 : i32
      %dma_wait3A_84 = tpu.memref_slice %arg6[%run_scoped3A, %dma_wait3A_83] : memref<3x96xi32, #tpu.memory_space<vmem>> -> memref<1x96xi32, #tpu.memory_space<vmem>>
      %dma_wait3A_85 = tpu.memref_squeeze %dma_wait3A_84 : memref<1x96xi32, #tpu.memory_space<vmem>> -> memref<96xi32, #tpu.memory_space<vmem>>
      %dma_wait3A_86 = arith.constant 0 : i32
      %dma_wait3A_87 = tpu.memref_slice %arg10[%dma_wait3A_86] : memref<8192xf32, #tpu.memory_space<vmem_shared>> -> memref<8192xf32, #tpu.memory_space<vmem_shared>>
      tpu.wait_indirect_dma semaphore(%run_scoped3A_77 : memref<!tpu.dma_semaphore, #tpu.memory_space<semaphore_mem>>) src(%arg8 : memref<96xf32, #tpu.memory_space<vmem>>) dst(%dma_wait3A_87 : memref<8192xf32, #tpu.memory_space<vmem_shared>>)
      tpu.yield
    }) : () -> ()
    %run_scoped3A_69 = arith.constant 1 : i32
    "tpu.region"() ({
      %run_scoped3A_77 = tpu.sem_alloc : memref<!tpu.dma_semaphore, #tpu.memory_space<semaphore_mem>>
      %dma_start3A_78 = arith.constant 0 : i32
      %dma_start3A_79 = tpu.memref_slice %arg6[%run_scoped3A_69, %dma_start3A_78] : memref<3x96xi32, #tpu.memory_space<vmem>> -> memref<1x96xi32, #tpu.memory_space<vmem>>
      %dma_start3A_80 = tpu.memref_squeeze %dma_start3A_79 : memref<1x96xi32, #tpu.memory_space<vmem>> -> memref<96xi32, #tpu.memory_space<vmem>>
      %dma_start3A_81 = arith.constant 0 : i32
      %dma_start3A_82 = tpu.memref_slice %arg10[%dma_start3A_81] : memref<8192xf32, #tpu.memory_space<vmem_shared>> -> memref<8192xf32, #tpu.memory_space<vmem_shared>>
      tpu.enqueue_indirect_dma source(%arg8 : memref<96xf32, #tpu.memory_space<vmem>>) target(%dma_start3A_82 : memref<8192xf32, #tpu.memory_space<vmem_shared>>) offsets(%dma_start3A_80 : memref<96xi32, #tpu.memory_space<vmem>>) semaphore(%run_scoped3A_77 : memref<!tpu.dma_semaphore, #tpu.memory_space<semaphore_mem>>) {add = true}
      %dma_wait3A_83 = arith.constant 0 : i32
      %dma_wait3A_84 = tpu.memref_slice %arg6[%run_scoped3A_69, %dma_wait3A_83] : memref<3x96xi32, #tpu.memory_space<vmem>> -> memref<1x96xi32, #tpu.memory_space<vmem>>
      %dma_wait3A_85 = tpu.memref_squeeze %dma_wait3A_84 : memref<1x96xi32, #tpu.memory_space<vmem>> -> memref<96xi32, #tpu.memory_space<vmem>>
      %dma_wait3A_86 = arith.constant 0 : i32
      %dma_wait3A_87 = tpu.memref_slice %arg10[%dma_wait3A_86] : memref<8192xf32, #tpu.memory_space<vmem_shared>> -> memref<8192xf32, #tpu.memory_space<vmem_shared>>
      tpu.wait_indirect_dma semaphore(%run_scoped3A_77 : memref<!tpu.dma_semaphore, #tpu.memory_space<semaphore_mem>>) src(%arg8 : memref<96xf32, #tpu.memory_space<vmem>>) dst(%dma_wait3A_87 : memref<8192xf32, #tpu.memory_space<vmem_shared>>)
      tpu.yield
    }) : () -> ()
    %run_scoped3A_70 = arith.constant 2 : i32
    "tpu.region"() ({
      %run_scoped3A_77 = tpu.sem_alloc : memref<!tpu.dma_semaphore, #tpu.memory_space<semaphore_mem>>
      %dma_start3A_78 = arith.constant 0 : i32
      %dma_start3A_79 = tpu.memref_slice %arg6[%run_scoped3A_70, %dma_start3A_78] : memref<3x96xi32, #tpu.memory_space<vmem>> -> memref<1x96xi32, #tpu.memory_space<vmem>>
      %dma_start3A_80 = tpu.memref_squeeze %dma_start3A_79 : memref<1x96xi32, #tpu.memory_space<vmem>> -> memref<96xi32, #tpu.memory_space<vmem>>
      %dma_start3A_81 = arith.constant 0 : i32
      %dma_start3A_82 = tpu.memref_slice %arg10[%dma_start3A_81] : memref<8192xf32, #tpu.memory_space<vmem_shared>> -> memref<8192xf32, #tpu.memory_space<vmem_shared>>
      tpu.enqueue_indirect_dma source(%arg8 : memref<96xf32, #tpu.memory_space<vmem>>) target(%dma_start3A_82 : memref<8192xf32, #tpu.memory_space<vmem_shared>>) offsets(%dma_start3A_80 : memref<96xi32, #tpu.memory_space<vmem>>) semaphore(%run_scoped3A_77 : memref<!tpu.dma_semaphore, #tpu.memory_space<semaphore_mem>>) {add = true}
      %dma_wait3A_83 = arith.constant 0 : i32
      %dma_wait3A_84 = tpu.memref_slice %arg6[%run_scoped3A_70, %dma_wait3A_83] : memref<3x96xi32, #tpu.memory_space<vmem>> -> memref<1x96xi32, #tpu.memory_space<vmem>>
      %dma_wait3A_85 = tpu.memref_squeeze %dma_wait3A_84 : memref<1x96xi32, #tpu.memory_space<vmem>> -> memref<96xi32, #tpu.memory_space<vmem>>
      %dma_wait3A_86 = arith.constant 0 : i32
      %dma_wait3A_87 = tpu.memref_slice %arg10[%dma_wait3A_86] : memref<8192xf32, #tpu.memory_space<vmem_shared>> -> memref<8192xf32, #tpu.memory_space<vmem_shared>>
      tpu.wait_indirect_dma semaphore(%run_scoped3A_77 : memref<!tpu.dma_semaphore, #tpu.memory_space<semaphore_mem>>) src(%arg8 : memref<96xf32, #tpu.memory_space<vmem>>) dst(%dma_wait3A_87 : memref<8192xf32, #tpu.memory_space<vmem_shared>>)
      tpu.yield
    }) : () -> ()
    %barrier3A_71 = arith.constant 0 : index
    tpu.barrier barrier_id(%barrier3A_71)
    %eq3A_72 = arith.constant 0 : i32
    %eq3A_73 = arith.cmpi eq, %arg1, %eq3A_72 : i32
    %convert_element_type3A_74 = arith.extui %eq3A_73 : i1 to i32
    %cond3A_75 = arith.constant 0 : i32
    %cond3A_76 = arith.cmpi ne, %convert_element_type3A_74, %cond3A_75 : i32
    scf.if %cond3A_76 {
      "tpu.region"() ({
        %run_scoped3A_77 = tpu.sem_alloc : memref<!tpu.dma_semaphore, #tpu.memory_space<semaphore_mem>>
        %dma_start3A_78 = arith.constant 0 : i32
        %dma_start3A_79 = tpu.memref_slice %arg5[%arg0, %dma_start3A_78] : memref<2x8192xf32, #tpu.memory_space<hbm>> -> memref<1x8192xf32, #tpu.memory_space<hbm>>
        %dma_start3A_80 = tpu.memref_squeeze %dma_start3A_79 : memref<1x8192xf32, #tpu.memory_space<hbm>> -> memref<8192xf32, #tpu.memory_space<hbm>>
        tpu.enqueue_dma source(%arg10 : memref<8192xf32, #tpu.memory_space<vmem_shared>>) target(%dma_start3A_80 : memref<8192xf32, #tpu.memory_space<hbm>>) target_semaphore(%run_scoped3A_77 : memref<!tpu.dma_semaphore, #tpu.memory_space<semaphore_mem>>)
        %dma_wait3A_81 = arith.constant 0 : i32
        %dma_wait3A_82 = tpu.memref_slice %arg5[%arg0, %dma_wait3A_81] : memref<2x8192xf32, #tpu.memory_space<hbm>> -> memref<1x8192xf32, #tpu.memory_space<hbm>>
        %dma_wait3A_83 = tpu.memref_squeeze %dma_wait3A_82 : memref<1x8192xf32, #tpu.memory_space<hbm>> -> memref<8192xf32, #tpu.memory_space<hbm>>
        tpu.wait_dma2 semaphore(%run_scoped3A_77 : memref<!tpu.dma_semaphore, #tpu.memory_space<semaphore_mem>>) src(%arg10 : memref<8192xf32, #tpu.memory_space<vmem_shared>>) dst(%dma_wait3A_83 : memref<8192xf32, #tpu.memory_space<hbm>>)
        tpu.yield
      }) : () -> ()
    } else {
    }
    return
  }
}

module attributes {stable_mosaic.version = 14 : i64} {
  func.func @_prep_kernel(%arg0: i32, %arg1: memref<1152x256xf32, #tpu.memory_space<vmem>>, %arg2: memref<1024x256xf32, #tpu.memory_space<vmem>>, %arg3: memref<1x1152xf32, #tpu.memory_space<vmem>>, %arg4: memref<1x1024xf32, #tpu.memory_space<vmem>>, %arg5: memref<1024x1xf32, #tpu.memory_space<vmem>>) attributes {dimension_semantics = [#tpu.dimension_semantics<arbitrary>], iteration_bounds = array<i64: 8>, scalar_prefetch = 0 : i64, scratch_operands = 0 : i64, tpu.core_type = #tpu.core_type<tc>, window_params = [{transform_indices = @transform_0, window_bounds = array<i64: 1152, 256>}, {transform_indices = @transform_1, window_bounds = array<i64: 1024, 256>}, {transform_indices = @transform_2, window_bounds = array<i64: 1, 1152>}, {transform_indices = @transform_3, window_bounds = array<i64: 1, 1024>}, {transform_indices = @transform_4, window_bounds = array<i64: 1024, 1>}]} {
    %get3A = arith.constant 0 : index
    %get3A_0 = arith.constant 0 : index
    %get3A_1 = vector.load %arg1[%get3A, %get3A_0] : memref<1152x256xf32, #tpu.memory_space<vmem>>, vector<1152x256xf32>
    %get3A_2 = arith.constant 0 : index
    %get3A_3 = arith.constant 0 : index
    %get3A_4 = vector.load %arg2[%get3A_2, %get3A_3] : memref<1024x256xf32, #tpu.memory_space<vmem>>, vector<1024x256xf32>
    %broadcast_in_dim3A = arith.constant 1.000000e+00 : f32
    %broadcast_in_dim3A_5 = vector.broadcast %broadcast_in_dim3A : f32 to vector<1x256xf32>
    %mul3A = arith.mulf %get3A_1, %get3A_1 : vector<1152x256xf32>
    %mul3A_6 = arith.mulf %get3A_4, %get3A_4 : vector<1024x256xf32>
    %dot_general3A = arith.constant dense<0.000000e+00> : vector<1x1152xf32>
    %dot_general3A_7 = tpu.matmul %broadcast_in_dim3A_5, %mul3A, %dot_general3A {dimension_numbers = #tpu.dot_dimension_numbers<[1], [1], [0], [0], [0, 0, 1, 0], [], []>, transpose_lhs_hint = false} : vector<1x256xf32>, vector<1152x256xf32>, vector<1x1152xf32> -> vector<1x1152xf32>
    %swap3A = arith.constant 0 : index
    %swap3A_8 = arith.constant 0 : index
    %swap3A_9 = vector.load %arg3[%swap3A, %swap3A_8] : memref<1x1152xf32, #tpu.memory_space<vmem>>, vector<1x1152xf32>
    tpu.vector_store %arg3[%swap3A, %swap3A_8], %dot_general3A_7 {strides = array<i32>} : memref<1x1152xf32, #tpu.memory_space<vmem>>, vector<1x1152xf32>,
    %dot_general3A_10 = arith.constant dense<0.000000e+00> : vector<1x1024xf32>
    %dot_general3A_11 = tpu.matmul %broadcast_in_dim3A_5, %mul3A_6, %dot_general3A_10 {dimension_numbers = #tpu.dot_dimension_numbers<[1], [1], [0], [0], [0, 0, 1, 0], [], []>, transpose_lhs_hint = false} : vector<1x256xf32>, vector<1024x256xf32>, vector<1x1024xf32> -> vector<1x1024xf32>
    %swap3A_12 = arith.constant 0 : index
    %swap3A_13 = arith.constant 0 : index
    %swap3A_14 = vector.load %arg4[%swap3A_12, %swap3A_13] : memref<1x1024xf32, #tpu.memory_space<vmem>>, vector<1x1024xf32>
    tpu.vector_store %arg4[%swap3A_12, %swap3A_13], %dot_general3A_11 {strides = array<i32>} : memref<1x1024xf32, #tpu.memory_space<vmem>>, vector<1x1024xf32>,
    %dot_general3A_15 = arith.constant dense<0.000000e+00> : vector<1024x1xf32>
    %dot_general3A_16 = tpu.matmul %mul3A_6, %broadcast_in_dim3A_5, %dot_general3A_15 {dimension_numbers = #tpu.dot_dimension_numbers<[1], [1], [0], [0], [0, 0, 1, 0], [], []>, transpose_lhs_hint = false} : vector<1024x256xf32>, vector<1x256xf32>, vector<1024x1xf32> -> vector<1024x1xf32>
    %swap3A_17 = arith.constant 0 : index
    %swap3A_18 = arith.constant 0 : index
    %swap3A_19 = vector.load %arg5[%swap3A_17, %swap3A_18] : memref<1024x1xf32, #tpu.memory_space<vmem>>, vector<1024x1xf32>
    tpu.vector_store %arg5[%swap3A_17, %swap3A_18], %dot_general3A_16 {strides = array<i32>} : memref<1024x1xf32, #tpu.memory_space<vmem>>, vector<1024x1xf32>,
    return
  }
  func.func @transform_0(%arg0: i32) -> (i32, i32) {
    %c0_i32 = arith.constant 0 : i32
    %c0_i32_0 = arith.constant 0 : i32
    return %arg0, %c0_i32 : i32, i32
  }
  func.func @transform_1(%arg0: i32) -> (i32, i32) {
    %c0_i32 = arith.constant 0 : i32
    %c0_i32_0 = arith.constant 0 : i32
    return %arg0, %c0_i32 : i32, i32
  }
  func.func @transform_2(%arg0: i32) -> (i32, i32) {
    %c0_i32 = arith.constant 0 : i32
    %c0_i32_0 = arith.constant 0 : i32
    return %c0_i32, %arg0 : i32, i32
  }
  func.func @transform_3(%arg0: i32) -> (i32, i32) {
    %c0_i32 = arith.constant 0 : i32
    %c0_i32_0 = arith.constant 0 : i32
    return %c0_i32, %arg0 : i32, i32
  }
  func.func @transform_4(%arg0: i32) -> (i32, i32) {
    %c0_i32 = arith.constant 0 : i32
    %c0_i32_0 = arith.constant 0 : i32
    return %arg0, %c0_i32 : i32, i32
  }
}

module attributes {stable_mosaic.version = 14 : i64} {
  func.func @_pair_kernel(%arg0: i32, %arg1: memref<36xi32, #tpu.memory_space<smem>>, %arg2: memref<36xi32, #tpu.memory_space<smem>>, %arg3: memref<1024x256xf32, #tpu.memory_space<vmem>>, %arg4: memref<1024x256xf32, #tpu.memory_space<vmem>>, %arg5: memref<1024x1xf32, #tpu.memory_space<vmem>>, %arg6: memref<1x1024xf32, #tpu.memory_space<vmem>>, %arg7: memref<1xf32, #tpu.memory_space<smem>>, %arg8: memref<1xf32, #tpu.memory_space<smem>>, %arg9: memref<2xf32, #tpu.memory_space<smem>>) attributes {dimension_semantics = [#tpu.dimension_semantics<arbitrary>], iteration_bounds = array<i64: 36>, scalar_prefetch = 2 : i64, scratch_operands = 1 : i64, tpu.core_type = #tpu.core_type<tc>, window_params = [{transform_indices = @transform_0, window_bounds = array<i64: 1024, 256>}, {transform_indices = @transform_1, window_bounds = array<i64: 1024, 256>}, {transform_indices = @transform_2, window_bounds = array<i64: 1024, 1>}, {transform_indices = @transform_3, window_bounds = array<i64: 1, 1024>}, {transform_indices = @transform_4, window_bounds = array<i64: 1>}, {transform_indices = @transform_5, window_bounds = array<i64: 1>}]} {
    %eq3A = arith.constant 0 : i32
    %eq3A_0 = arith.cmpi eq, %arg0, %eq3A : i32
    %convert_element_type3A = arith.extui %eq3A_0 : i1 to i32
    %cond3A = arith.constant 0 : i32
    %cond3A_1 = arith.cmpi ne, %convert_element_type3A, %cond3A : i32
    scf.if %cond3A_1 {
      %swap3A_58 = arith.constant 0.000000e+00 : f32
      %swap3A_59 = arith.constant 0 : index
      %swap3A_60 = memref.load %arg9[%swap3A_59] : memref<2xf32, #tpu.memory_space<smem>>
      memref.store %swap3A_58, %arg9[%swap3A_59] : memref<2xf32, #tpu.memory_space<smem>>
      %swap3A_61 = arith.constant 0x7F800000 : f32
      %swap3A_62 = arith.constant 1 : index
      %swap3A_63 = memref.load %arg9[%swap3A_62] : memref<2xf32, #tpu.memory_space<smem>>
      memref.store %swap3A_61, %arg9[%swap3A_62] : memref<2xf32, #tpu.memory_space<smem>>
    } else {
    }
    %get3A = arith.constant 0 : index
    %get3A_2 = arith.constant 0 : index
    %get3A_3 = vector.load %arg3[%get3A, %get3A_2] : memref<1024x256xf32, #tpu.memory_space<vmem>>, vector<1024x256xf32>
    %get3A_4 = arith.constant 0 : index
    %get3A_5 = arith.constant 0 : index
    %get3A_6 = vector.load %arg4[%get3A_4, %get3A_5] : memref<1024x256xf32, #tpu.memory_space<vmem>>, vector<1024x256xf32>
    %dot_general3A = arith.constant dense<0.000000e+00> : vector<1024x1024xf32>
    %dot_general3A_7 = tpu.matmul %get3A_3, %get3A_6, %dot_general3A {dimension_numbers = #tpu.dot_dimension_numbers<[1], [1], [0], [0], [0, 0, 1, 0], [], []>, transpose_lhs_hint = false} : vector<1024x256xf32>, vector<1024x256xf32>, vector<1024x1024xf32> -> vector<1024x1024xf32>
    %get3A_8 = arith.constant 0 : index
    %get3A_9 = arith.constant 0 : index
    %get3A_10 = vector.load %arg5[%get3A_8, %get3A_9] : memref<1024x1xf32, #tpu.memory_space<vmem>>, vector<1024x1xf32>
    %get3A_11 = arith.constant 0 : index
    %get3A_12 = arith.constant 0 : index
    %get3A_13 = vector.load %arg6[%get3A_11, %get3A_12] : memref<1x1024xf32, #tpu.memory_space<vmem>>, vector<1x1024xf32>
    %add3A = vector.broadcast %get3A_10 : vector<1024x1xf32> to vector<1024x1024xf32>
    %add3A_14 = vector.broadcast %get3A_13 : vector<1x1024xf32> to vector<1024x1024xf32>
    %add3A_15 = arith.addf %add3A, %add3A_14 : vector<1024x1024xf32>
    %mul3A = arith.constant 2.000000e+00 : f32
    %mul3A_16 = vector.broadcast %mul3A : f32 to vector<1024x1024xf32>
    %mul3A_17 = arith.mulf %mul3A_16, %dot_general3A_7 : vector<1024x1024xf32>
    %sub3A = arith.subf %add3A_15, %mul3A_17 : vector<1024x1024xf32>
    %max3A = arith.constant 0.000000e+00 : f32
    %max3A_18 = vector.broadcast %max3A : f32 to vector<1024x1024xf32>
    %max3A_19 = arith.maximumf %sub3A, %max3A_18 : vector<1024x1024xf32>
    %get3A_20 = arith.index_cast %arg0 : i32 to index
    %get3A_21 = memref.load %arg1[%get3A_20] : memref<36xi32, #tpu.memory_space<smem>>
    %get3A_22 = arith.index_cast %arg0 : i32 to index
    %get3A_23 = memref.load %arg2[%get3A_22] : memref<36xi32, #tpu.memory_space<smem>>
    %eq3A_24 = arith.cmpi eq, %get3A_21, %get3A_23 : i32
    %iota3A = tpu.iota {dimensions = array<i32: 0>} : vector<1024x1024xi32>
    %iota3A_25 = tpu.iota {dimensions = array<i32: 1>} : vector<1024x1024xi32>
    %eq3A_26 = arith.cmpi eq, %iota3A, %iota3A_25 : vector<1024x1024xi32>
    %and3A = vector.broadcast %eq3A_24 : i1 to vector<1024x1024xi1>
    %and3A_27 = arith.andi %eq3A_26, %and3A : vector<1024x1024xi1>
    %jit3A = arith.constant 1.000000e+00 : f32
    %broadcast_in_dim3A = vector.broadcast %jit3A : f32 to vector<1024x1024xf32>
    %select_n3A = arith.select %and3A_27, %broadcast_in_dim3A, %max3A_19 : vector<1024x1024xi1>, vector<1024x1024xf32>
    %sqrt3A = math.sqrt %select_n3A : vector<1024x1024xf32>
    %jit3A_28 = arith.constant 0.000000e+00 : f32
    %broadcast_in_dim3A_29 = vector.broadcast %jit3A_28 : f32 to vector<1024x1024xf32>
    %select_n3A_30 = arith.select %and3A_27, %broadcast_in_dim3A_29, %sqrt3A : vector<1024x1024xi1>, vector<1024x1024xf32>
    %reduce_sum3A = vector.shape_cast %select_n3A_30 : vector<1024x1024xf32> to vector<1x1024x1024xf32>
    %reduce_sum3A_31 = arith.constant dense<0.000000e+00> : vector<1xf32>
    %reduce_sum3A_32 = vector.multi_reduction <add>, %reduce_sum3A, %reduce_sum3A_31 [1, 2] : vector<1x1024x1024xf32> to vector<1xf32>
    %reduce_sum3A_33 = vector.shape_cast %reduce_sum3A_32 : vector<1xf32> to vector<1x1x1xf32>
    %reduce_sum3A_34 = vector.extract %reduce_sum3A_33[0, 0, 0] : f32 from vector<1x1x1xf32>
    %jit3A_35 = arith.constant 0x7F800000 : f32
    %broadcast_in_dim3A_36 = vector.broadcast %jit3A_35 : f32 to vector<1024x1024xf32>
    %select_n3A_37 = arith.select %and3A_27, %broadcast_in_dim3A_36, %sqrt3A : vector<1024x1024xi1>, vector<1024x1024xf32>
    %reduce_min3A = vector.shape_cast %select_n3A_37 : vector<1024x1024xf32> to vector<1x1024x1024xf32>
    %reduce_min3A_38 = arith.constant dense<0x7F800000> : vector<1xf32>
    %reduce_min3A_39 = vector.multi_reduction <minimumf>, %reduce_min3A, %reduce_min3A_38 [1, 2] : vector<1x1024x1024xf32> to vector<1xf32>
    %reduce_min3A_40 = vector.shape_cast %reduce_min3A_39 : vector<1xf32> to vector<1x1x1xf32>
    %reduce_min3A_41 = vector.extract %reduce_min3A_40[0, 0, 0] : f32 from vector<1x1x1xf32>
    %get3A_42 = arith.constant 0 : index
    %get3A_43 = memref.load %arg9[%get3A_42] : memref<2xf32, #tpu.memory_space<smem>>
    %mul3A_44 = arith.constant 2.000000e+00 : f32
    %mul3A_45 = arith.mulf %mul3A_44, %reduce_sum3A_34 : f32
    %select_n3A_46 = arith.select %eq3A_24, %reduce_sum3A_34, %mul3A_45 : f32
    %add3A_47 = arith.addf %get3A_43, %select_n3A_46 : f32
    %swap3A = arith.constant 0 : index
    %swap3A_48 = memref.load %arg9[%swap3A] : memref<2xf32, #tpu.memory_space<smem>>
    memref.store %add3A_47, %arg9[%swap3A] : memref<2xf32, #tpu.memory_space<smem>>
    %get3A_49 = arith.constant 1 : index
    %get3A_50 = memref.load %arg9[%get3A_49] : memref<2xf32, #tpu.memory_space<smem>>
    %min3A = arith.minimumf %get3A_50, %reduce_min3A_41 : f32
    %swap3A_51 = arith.constant 1 : index
    %swap3A_52 = memref.load %arg9[%swap3A_51] : memref<2xf32, #tpu.memory_space<smem>>
    memref.store %min3A, %arg9[%swap3A_51] : memref<2xf32, #tpu.memory_space<smem>>
    %eq3A_53 = arith.constant 35 : i32
    %eq3A_54 = arith.cmpi eq, %arg0, %eq3A_53 : i32
    %convert_element_type3A_55 = arith.extui %eq3A_54 : i1 to i32
    %cond3A_56 = arith.constant 0 : i32
    %cond3A_57 = arith.cmpi ne, %convert_element_type3A_55, %cond3A_56 : i32
    scf.if %cond3A_57 {
      %get3A_58 = arith.constant 0 : index
      %get3A_59 = memref.load %arg9[%get3A_58] : memref<2xf32, #tpu.memory_space<smem>>
      %div3A = arith.constant 0x4C7FF800 : f32
      %div3A_60 = arith.divf %get3A_59, %div3A : f32
      %swap3A_61 = arith.constant 0 : index
      %swap3A_62 = memref.load %arg7[%swap3A_61] : memref<1xf32, #tpu.memory_space<smem>>
      memref.store %div3A_60, %arg7[%swap3A_61] : memref<1xf32, #tpu.memory_space<smem>>
      %get3A_63 = arith.constant 1 : index
      %get3A_64 = memref.load %arg9[%get3A_63] : memref<2xf32, #tpu.memory_space<smem>>
      %swap3A_65 = arith.constant 0 : index
      %swap3A_66 = memref.load %arg8[%swap3A_65] : memref<1xf32, #tpu.memory_space<smem>>
      memref.store %get3A_64, %arg8[%swap3A_65] : memref<1xf32, #tpu.memory_space<smem>>
    } else {
    }
    return
  }
  func.func @transform_0(%arg0: i32, %arg1: memref<36xi32, #tpu.memory_space<smem>>, %arg2: memref<36xi32, #tpu.memory_space<smem>>) -> (i32, i32) {
    %get3A = arith.index_cast %arg0 : i32 to index
    %get3A_0 = memref.load %arg1[%get3A] : memref<36xi32, #tpu.memory_space<smem>>
    %c0_i32 = arith.constant 0 : i32
    %c0_i32_1 = arith.constant 0 : i32
    return %get3A_0, %c0_i32 : i32, i32
  }
  func.func @transform_1(%arg0: i32, %arg1: memref<36xi32, #tpu.memory_space<smem>>, %arg2: memref<36xi32, #tpu.memory_space<smem>>) -> (i32, i32) {
    %get3A = arith.index_cast %arg0 : i32 to index
    %get3A_0 = memref.load %arg2[%get3A] : memref<36xi32, #tpu.memory_space<smem>>
    %c0_i32 = arith.constant 0 : i32
    %c0_i32_1 = arith.constant 0 : i32
    return %get3A_0, %c0_i32 : i32, i32
  }
  func.func @transform_2(%arg0: i32, %arg1: memref<36xi32, #tpu.memory_space<smem>>, %arg2: memref<36xi32, #tpu.memory_space<smem>>) -> (i32, i32) {
    %get3A = arith.index_cast %arg0 : i32 to index
    %get3A_0 = memref.load %arg1[%get3A] : memref<36xi32, #tpu.memory_space<smem>>
    %c0_i32 = arith.constant 0 : i32
    %c0_i32_1 = arith.constant 0 : i32
    return %get3A_0, %c0_i32 : i32, i32
  }
  func.func @transform_3(%arg0: i32, %arg1: memref<36xi32, #tpu.memory_space<smem>>, %arg2: memref<36xi32, #tpu.memory_space<smem>>) -> (i32, i32) {
    %get3A = arith.index_cast %arg0 : i32 to index
    %get3A_0 = memref.load %arg2[%get3A] : memref<36xi32, #tpu.memory_space<smem>>
    %c0_i32 = arith.constant 0 : i32
    %c0_i32_1 = arith.constant 0 : i32
    return %c0_i32, %get3A_0 : i32, i32
  }
  func.func @transform_4(%arg0: i32, %arg1: memref<36xi32, #tpu.memory_space<smem>>, %arg2: memref<36xi32, #tpu.memory_space<smem>>) -> i32 {
    %c0_i32 = arith.constant 0 : i32
    %c0_i32_0 = arith.constant 0 : i32
    return %c0_i32 : i32
  }
  func.func @transform_5(%arg0: i32, %arg1: memref<36xi32, #tpu.memory_space<smem>>, %arg2: memref<36xi32, #tpu.memory_space<smem>>) -> i32 {
    %c0_i32 = arith.constant 0 : i32
    %c0_i32_0 = arith.constant 0 : i32
    return %c0_i32 : i32
  }
}

module attributes {stable_mosaic.version = 14 : i64} {
  func.func @_argmin_kernel(%arg0: i32, %arg1: i32, %arg2: memref<1024x256xf32, #tpu.memory_space<vmem>>, %arg3: memref<512x256xf32, #tpu.memory_space<vmem>>, %arg4: memref<1x512xf32, #tpu.memory_space<vmem>>, %arg5: memref<1024x1xf32, #tpu.memory_space<vmem>>, %arg6: memref<512xi32, #tpu.memory_space<vmem>>, %arg7: memref<512xf32, #tpu.memory_space<vmem>>, %arg8: memref<512xi32, #tpu.memory_space<vmem>>) attributes {dimension_semantics = [#tpu.dimension_semantics<parallel>, #tpu.dimension_semantics<arbitrary>], iteration_bounds = array<i64: 18, 8>, scalar_prefetch = 0 : i64, scratch_operands = 2 : i64, tpu.core_type = #tpu.core_type<tc>, window_params = [{transform_indices = @transform_0, window_bounds = array<i64: 1024, 256>}, {transform_indices = @transform_1, window_bounds = array<i64: 512, 256>}, {transform_indices = @transform_2, window_bounds = array<i64: 1, 512>}, {transform_indices = @transform_3, window_bounds = array<i64: 1024, 1>}, {transform_indices = @transform_4, window_bounds = array<i64: 512>}]} {
    %eq3A = arith.constant 0 : i32
    %eq3A_0 = arith.cmpi eq, %arg1, %eq3A : i32
    %convert_element_type3A = arith.extui %eq3A_0 : i1 to i32
    %cond3A = arith.constant 0 : i32
    %cond3A_1 = arith.cmpi ne, %convert_element_type3A, %cond3A : i32
    scf.if %cond3A_1 {
      %broadcast_in_dim3A_44 = arith.constant 0x7F800000 : f32
      %broadcast_in_dim3A_45 = vector.broadcast %broadcast_in_dim3A_44 : f32 to vector<512xf32>
      %swap3A_46 = arith.constant 0 : index
      %swap3A_47 = vector.load %arg7[%swap3A_46] : memref<512xf32, #tpu.memory_space<vmem>>, vector<512xf32>
      tpu.vector_store %arg7[%swap3A_46], %broadcast_in_dim3A_45 {strides = array<i32>} : memref<512xf32, #tpu.memory_space<vmem>>, vector<512xf32>,
      %broadcast_in_dim3A_48 = arith.constant 0 : i32
      %broadcast_in_dim3A_49 = vector.broadcast %broadcast_in_dim3A_48 : i32 to vector<512xi32>
      %swap3A_50 = arith.constant 0 : index
      %swap3A_51 = vector.load %arg8[%swap3A_50] : memref<512xi32, #tpu.memory_space<vmem>>, vector<512xi32>
      tpu.vector_store %arg8[%swap3A_50], %broadcast_in_dim3A_49 {strides = array<i32>} : memref<512xi32, #tpu.memory_space<vmem>>, vector<512xi32>,
    } else {
    }
    %get3A = arith.constant 0 : index
    %get3A_2 = arith.constant 0 : index
    %get3A_3 = vector.load %arg2[%get3A, %get3A_2] : memref<1024x256xf32, #tpu.memory_space<vmem>>, vector<1024x256xf32>
    %get3A_4 = arith.constant 0 : index
    %get3A_5 = arith.constant 0 : index
    %get3A_6 = vector.load %arg3[%get3A_4, %get3A_5] : memref<512x256xf32, #tpu.memory_space<vmem>>, vector<512x256xf32>
    %dot_general3A = arith.constant dense<0.000000e+00> : vector<1024x512xf32>
    %dot_general3A_7 = tpu.matmul %get3A_3, %get3A_6, %dot_general3A {dimension_numbers = #tpu.dot_dimension_numbers<[1], [1], [0], [0], [0, 0, 1, 0], [], []>, transpose_lhs_hint = false} : vector<1024x256xf32>, vector<512x256xf32>, vector<1024x512xf32> -> vector<1024x512xf32>
    %get3A_8 = arith.constant 0 : index
    %get3A_9 = arith.constant 0 : index
    %get3A_10 = vector.load %arg4[%get3A_8, %get3A_9] : memref<1x512xf32, #tpu.memory_space<vmem>>, vector<1x512xf32>
    %mul3A = arith.constant 2.000000e+00 : f32
    %mul3A_11 = vector.broadcast %mul3A : f32 to vector<1024x512xf32>
    %mul3A_12 = arith.mulf %mul3A_11, %dot_general3A_7 : vector<1024x512xf32>
    %sub3A = vector.broadcast %get3A_10 : vector<1x512xf32> to vector<1024x512xf32>
    %sub3A_13 = arith.subf %sub3A, %mul3A_12 : vector<1024x512xf32>
    %get3A_14 = arith.constant 0 : index
    %get3A_15 = arith.constant 0 : index
    %get3A_16 = vector.load %arg5[%get3A_14, %get3A_15] : memref<1024x1xf32, #tpu.memory_space<vmem>>, vector<1024x1xf32>
    %add3A = vector.broadcast %get3A_16 : vector<1024x1xf32> to vector<1024x512xf32>
    %add3A_17 = arith.addf %sub3A_13, %add3A : vector<1024x512xf32>
    %reduce_min3A = arith.constant dense<0x7F800000> : vector<512xf32>
    %reduce_min3A_18 = vector.multi_reduction <minimumf>, %add3A_17, %reduce_min3A [0] : vector<1024x512xf32> to vector<512xf32>
    %iota3A = tpu.iota {dimensions = array<i32: 0>} : vector<1024x512xi32>
    %broadcast_in_dim3A = vector.shape_cast %reduce_min3A_18 : vector<512xf32> to vector<1x512xf32>
    %eq3A_19 = vector.broadcast %broadcast_in_dim3A : vector<1x512xf32> to vector<1024x512xf32>
    %eq3A_20 = arith.cmpf oeq, %add3A_17, %eq3A_19 : vector<1024x512xf32>
    %jit3A = arith.constant 1073741824 : i32
    %broadcast_in_dim3A_21 = vector.broadcast %jit3A : i32 to vector<1024x512xi32>
    %select_n3A = arith.select %eq3A_20, %iota3A, %broadcast_in_dim3A_21 : vector<1024x512xi1>, vector<1024x512xi32>
    %reduce_min3A_22 = arith.constant dense<2147483647> : vector<512xi32>
    %reduce_min3A_23 = vector.multi_reduction <minsi>, %select_n3A, %reduce_min3A_22 [0] : vector<1024x512xi32> to vector<512xi32>
    %mul3A_24 = arith.constant 1024 : i32
    %mul3A_25 = arith.muli %arg1, %mul3A_24 : i32
    %add3A_26 = vector.broadcast %mul3A_25 : i32 to vector<512xi32>
    %add3A_27 = arith.addi %reduce_min3A_23, %add3A_26 : vector<512xi32>
    %get3A_28 = arith.constant 0 : index
    %get3A_29 = vector.load %arg7[%get3A_28] : memref<512xf32, #tpu.memory_space<vmem>>, vector<512xf32>
    %lt3A = arith.cmpf olt, %reduce_min3A_18, %get3A_29 : vector<512xf32>
    %get3A_30 = arith.constant 0 : index
    %get3A_31 = vector.load %arg8[%get3A_30] : memref<512xi32, #tpu.memory_space<vmem>>, vector<512xi32>
    %select_n3A_32 = arith.select %lt3A, %add3A_27, %get3A_31 : vector<512xi1>, vector<512xi32>
    %swap3A = arith.constant 0 : index
    %swap3A_33 = vector.load %arg8[%swap3A] : memref<512xi32, #tpu.memory_space<vmem>>, vector<512xi32>
    tpu.vector_store %arg8[%swap3A], %select_n3A_32 {strides = array<i32>} : memref<512xi32, #tpu.memory_space<vmem>>, vector<512xi32>,
    %get3A_34 = arith.constant 0 : index
    %get3A_35 = vector.load %arg7[%get3A_34] : memref<512xf32, #tpu.memory_space<vmem>>, vector<512xf32>
    %select_n3A_36 = arith.select %lt3A, %reduce_min3A_18, %get3A_35 : vector<512xi1>, vector<512xf32>
    %swap3A_37 = arith.constant 0 : index
    %swap3A_38 = vector.load %arg7[%swap3A_37] : memref<512xf32, #tpu.memory_space<vmem>>, vector<512xf32>
    tpu.vector_store %arg7[%swap3A_37], %select_n3A_36 {strides = array<i32>} : memref<512xf32, #tpu.memory_space<vmem>>, vector<512xf32>,
    %eq3A_39 = arith.constant 7 : i32
    %eq3A_40 = arith.cmpi eq, %arg1, %eq3A_39 : i32
    %convert_element_type3A_41 = arith.extui %eq3A_40 : i1 to i32
    %cond3A_42 = arith.constant 0 : i32
    %cond3A_43 = arith.cmpi ne, %convert_element_type3A_41, %cond3A_42 : i32
    scf.if %cond3A_43 {
      %get3A_44 = arith.constant 0 : index
      %get3A_45 = vector.load %arg8[%get3A_44] : memref<512xi32, #tpu.memory_space<vmem>>, vector<512xi32>
      %swap3A_46 = arith.constant 0 : index
      %swap3A_47 = vector.load %arg6[%swap3A_46] : memref<512xi32, #tpu.memory_space<vmem>>, vector<512xi32>
      tpu.vector_store %arg6[%swap3A_46], %get3A_45 {strides = array<i32>} : memref<512xi32, #tpu.memory_space<vmem>>, vector<512xi32>,
    } else {
    }
    return
  }
  func.func @transform_0(%arg0: i32, %arg1: i32) -> (i32, i32) {
    %c0_i32 = arith.constant 0 : i32
    %c0_i32_0 = arith.constant 0 : i32
    return %arg1, %c0_i32 : i32, i32
  }
  func.func @transform_1(%arg0: i32, %arg1: i32) -> (i32, i32) {
    %c0_i32 = arith.constant 0 : i32
    %c0_i32_0 = arith.constant 0 : i32
    return %arg0, %c0_i32 : i32, i32
  }
  func.func @transform_2(%arg0: i32, %arg1: i32) -> (i32, i32) {
    %c0_i32 = arith.constant 0 : i32
    %c0_i32_0 = arith.constant 0 : i32
    return %c0_i32, %arg0 : i32, i32
  }
  func.func @transform_3(%arg0: i32, %arg1: i32) -> (i32, i32) {
    %c0_i32 = arith.constant 0 : i32
    %c0_i32_0 = arith.constant 0 : i32
    return %arg1, %c0_i32 : i32, i32
  }
  func.func @transform_4(%arg0: i32, %arg1: i32) -> i32 {
    %c0_i32 = arith.constant 0 : i32
    return %arg0 : i32
  }
}

module attributes {stable_mosaic.version = 14 : i64} {
  func.func @_fused_kernel(%arg0: i32, %arg1: memref<1024x256xf32, #tpu.memory_space<vmem>>, %arg2: memref<1024x256xf32, #tpu.memory_space<vmem>>, %arg3: memref<2x8192xf32, #tpu.memory_space<vmem>>, %arg4: memref<1024x256xf32, #tpu.memory_space<vmem>>, %arg5: memref<1xf32, #tpu.memory_space<smem>>, %arg6: memref<1xf32, #tpu.memory_space<smem>>, %arg7: memref<1xf32, #tpu.memory_space<smem>>, %arg8: memref<1xf32, #tpu.memory_space<smem>>, %arg9: memref<2xf32, #tpu.memory_space<smem>>) attributes {dimension_semantics = [#tpu.dimension_semantics<arbitrary>], iteration_bounds = array<i64: 9>, scalar_prefetch = 0 : i64, scratch_operands = 1 : i64, tpu.core_type = #tpu.core_type<tc>, window_params = [{transform_indices = @transform_0, window_bounds = array<i64: 1024, 256>}, {transform_indices = @transform_1, window_bounds = array<i64: 1024, 256>}, {pipeline_mode = #tpu.pipeline_mode<synchronous>, transform_indices = @transform_2, window_bounds = array<i64: 2, 8192>}, {transform_indices = @transform_3, window_bounds = array<i64: 1024, 256>}, {transform_indices = @transform_4, window_bounds = array<i64: 1>}, {transform_indices = @transform_5, window_bounds = array<i64: 1>}, {transform_indices = @transform_6, window_bounds = array<i64: 1>}, {transform_indices = @transform_7, window_bounds = array<i64: 1>}]} {
    %eq3A = arith.constant 0 : i32
    %eq3A_0 = arith.cmpi eq, %arg0, %eq3A : i32
    %convert_element_type3A = arith.extui %eq3A_0 : i1 to i32
    %cond3A = arith.constant 0 : i32
    %cond3A_1 = arith.cmpi ne, %convert_element_type3A, %cond3A : i32
    scf.if %cond3A_1 {
      %swap3A_52 = arith.constant 0.000000e+00 : f32
      %swap3A_53 = arith.constant 0 : index
      %swap3A_54 = memref.load %arg9[%swap3A_53] : memref<2xf32, #tpu.memory_space<smem>>
      memref.store %swap3A_52, %arg9[%swap3A_53] : memref<2xf32, #tpu.memory_space<smem>>
      %swap3A_55 = arith.constant 0.000000e+00 : f32
      %swap3A_56 = arith.constant 1 : index
      %swap3A_57 = memref.load %arg9[%swap3A_56] : memref<2xf32, #tpu.memory_space<smem>>
      memref.store %swap3A_55, %arg9[%swap3A_56] : memref<2xf32, #tpu.memory_space<smem>>
    } else {
    }
    %get3A = arith.constant 0 : index
    %get3A_2 = arith.constant 0 : index
    %get3A_3 = vector.load %arg1[%get3A, %get3A_2] : memref<1024x256xf32, #tpu.memory_space<vmem>>, vector<1024x256xf32>
    %get3A_4 = arith.constant 0 : index
    %get3A_5 = arith.constant 0 : index
    %get3A_6 = vector.load %arg2[%get3A_4, %get3A_5] : memref<1024x256xf32, #tpu.memory_space<vmem>>, vector<1024x256xf32>
    %sub3A = arith.subf %get3A_6, %get3A_3 : vector<1024x256xf32>
    %add3A = arith.addf %get3A_3, %sub3A : vector<1024x256xf32>
    %swap3A = arith.constant 0 : index
    %swap3A_7 = arith.constant 0 : index
    %swap3A_8 = vector.load %arg4[%swap3A, %swap3A_7] : memref<1024x256xf32, #tpu.memory_space<vmem>>, vector<1024x256xf32>
    tpu.vector_store %arg4[%swap3A, %swap3A_7], %add3A {strides = array<i32>} : memref<1024x256xf32, #tpu.memory_space<vmem>>, vector<1024x256xf32>,
    %sub3A_9 = arith.subf %get3A_3, %get3A_6 : vector<1024x256xf32>
    %broadcast_in_dim3A = arith.constant 1.000000e+00 : f32
    %broadcast_in_dim3A_10 = vector.broadcast %broadcast_in_dim3A : f32 to vector<1x256xf32>
    %get3A_11 = arith.constant 0 : index
    %get3A_12 = memref.load %arg9[%get3A_11] : memref<2xf32, #tpu.memory_space<smem>>
    %mul3A = arith.mulf %sub3A_9, %sub3A_9 : vector<1024x256xf32>
    %dot_general3A = arith.constant dense<0.000000e+00> : vector<1x1024xf32>
    %dot_general3A_13 = tpu.matmul %broadcast_in_dim3A_10, %mul3A, %dot_general3A {dimension_numbers = #tpu.dot_dimension_numbers<[1], [1], [0], [0], [0, 0, 1, 0], [], []>, transpose_lhs_hint = false} : vector<1x256xf32>, vector<1024x256xf32>, vector<1x1024xf32> -> vector<1x1024xf32>
    %reduce_sum3A = vector.shape_cast %dot_general3A_13 : vector<1x1024xf32> to vector<1x1x1024xf32>
    %reduce_sum3A_14 = arith.constant dense<0.000000e+00> : vector<1xf32>
    %reduce_sum3A_15 = vector.multi_reduction <add>, %reduce_sum3A, %reduce_sum3A_14 [1, 2] : vector<1x1x1024xf32> to vector<1xf32>
    %reduce_sum3A_16 = vector.shape_cast %reduce_sum3A_15 : vector<1xf32> to vector<1x1x1xf32>
    %reduce_sum3A_17 = vector.extract %reduce_sum3A_16[0, 0, 0] : f32 from vector<1x1x1xf32>
    %add3A_18 = arith.addf %get3A_12, %reduce_sum3A_17 : f32
    %swap3A_19 = arith.constant 0 : index
    %swap3A_20 = memref.load %arg9[%swap3A_19] : memref<2xf32, #tpu.memory_space<smem>>
    memref.store %add3A_18, %arg9[%swap3A_19] : memref<2xf32, #tpu.memory_space<smem>>
    %mul3A_21 = arith.mulf %get3A_3, %get3A_3 : vector<1024x256xf32>
    %dot_general3A_22 = arith.constant dense<0.000000e+00> : vector<1x1024xf32>
    %dot_general3A_23 = tpu.matmul %broadcast_in_dim3A_10, %mul3A_21, %dot_general3A_22 {dimension_numbers = #tpu.dot_dimension_numbers<[1], [1], [0], [0], [0, 0, 1, 0], [], []>, transpose_lhs_hint = false} : vector<1x256xf32>, vector<1024x256xf32>, vector<1x1024xf32> -> vector<1x1024xf32>
    %sqrt3A = math.sqrt %dot_general3A_23 : vector<1x1024xf32>
    %mul3A_24 = arith.mulf %get3A_6, %get3A_6 : vector<1024x256xf32>
    %dot_general3A_25 = arith.constant dense<0.000000e+00> : vector<1x1024xf32>
    %dot_general3A_26 = tpu.matmul %broadcast_in_dim3A_10, %mul3A_24, %dot_general3A_25 {dimension_numbers = #tpu.dot_dimension_numbers<[1], [1], [0], [0], [0, 0, 1, 0], [], []>, transpose_lhs_hint = false} : vector<1x256xf32>, vector<1024x256xf32>, vector<1x1024xf32> -> vector<1x1024xf32>
    %sqrt3A_27 = math.sqrt %dot_general3A_26 : vector<1x1024xf32>
    %mul3A_28 = arith.mulf %get3A_3, %get3A_6 : vector<1024x256xf32>
    %dot_general3A_29 = arith.constant dense<0.000000e+00> : vector<1x1024xf32>
    %dot_general3A_30 = tpu.matmul %broadcast_in_dim3A_10, %mul3A_28, %dot_general3A_29 {dimension_numbers = #tpu.dot_dimension_numbers<[1], [1], [0], [0], [0, 0, 1, 0], [], []>, transpose_lhs_hint = false} : vector<1x256xf32>, vector<1024x256xf32>, vector<1x1024xf32> -> vector<1x1024xf32>
    %max3A = arith.constant 9.99999996E-13 : f32
    %max3A_31 = vector.broadcast %max3A : f32 to vector<1x1024xf32>
    %max3A_32 = arith.maximumf %sqrt3A, %max3A_31 : vector<1x1024xf32>
    %max3A_33 = arith.constant 9.99999996E-13 : f32
    %max3A_34 = vector.broadcast %max3A_33 : f32 to vector<1x1024xf32>
    %max3A_35 = arith.maximumf %sqrt3A_27, %max3A_34 : vector<1x1024xf32>
    %mul3A_36 = arith.mulf %max3A_32, %max3A_35 : vector<1x1024xf32>
    %div3A = arith.divf %dot_general3A_30, %mul3A_36 : vector<1x1024xf32>
    %get3A_37 = arith.constant 1 : index
    %get3A_38 = memref.load %arg9[%get3A_37] : memref<2xf32, #tpu.memory_space<smem>>
    %reduce_sum3A_39 = vector.shape_cast %div3A : vector<1x1024xf32> to vector<1x1x1024xf32>
    %reduce_sum3A_40 = arith.constant dense<0.000000e+00> : vector<1xf32>
    %reduce_sum3A_41 = vector.multi_reduction <add>, %reduce_sum3A_39, %reduce_sum3A_40 [1, 2] : vector<1x1x1024xf32> to vector<1xf32>
    %reduce_sum3A_42 = vector.shape_cast %reduce_sum3A_41 : vector<1xf32> to vector<1x1x1xf32>
    %reduce_sum3A_43 = vector.extract %reduce_sum3A_42[0, 0, 0] : f32 from vector<1x1x1xf32>
    %add3A_44 = arith.addf %get3A_38, %reduce_sum3A_43 : f32
    %swap3A_45 = arith.constant 1 : index
    %swap3A_46 = memref.load %arg9[%swap3A_45] : memref<2xf32, #tpu.memory_space<smem>>
    memref.store %add3A_44, %arg9[%swap3A_45] : memref<2xf32, #tpu.memory_space<smem>>
    %eq3A_47 = arith.constant 8 : i32
    %eq3A_48 = arith.cmpi eq, %arg0, %eq3A_47 : i32
    %convert_element_type3A_49 = arith.extui %eq3A_48 : i1 to i32
    %cond3A_50 = arith.constant 0 : i32
    %cond3A_51 = arith.cmpi ne, %convert_element_type3A_49, %cond3A_50 : i32
    scf.if %cond3A_51 {
      %get3A_52 = arith.constant 0 : index
      %get3A_53 = memref.load %arg9[%get3A_52] : memref<2xf32, #tpu.memory_space<smem>>
      %div3A_54 = arith.constant 0x4A100000 : f32
      %div3A_55 = arith.divf %get3A_53, %div3A_54 : f32
      %mul3A_56 = arith.constant 2.500000e-01 : f32
      %mul3A_57 = arith.mulf %mul3A_56, %div3A_55 : f32
      %swap3A_58 = arith.constant 0 : index
      %swap3A_59 = memref.load %arg5[%swap3A_58] : memref<1xf32, #tpu.memory_space<smem>>
      memref.store %mul3A_57, %arg5[%swap3A_58] : memref<1xf32, #tpu.memory_space<smem>>
      %swap3A_60 = arith.constant 0 : index
      %swap3A_61 = memref.load %arg6[%swap3A_60] : memref<1xf32, #tpu.memory_space<smem>>
      memref.store %div3A_55, %arg6[%swap3A_60] : memref<1xf32, #tpu.memory_space<smem>>
      %get3A_62 = arith.constant 1 : index
      %get3A_63 = memref.load %arg9[%get3A_62] : memref<2xf32, #tpu.memory_space<smem>>
      %div3A_64 = arith.constant 9.216000e+03 : f32
      %div3A_65 = arith.divf %get3A_63, %div3A_64 : f32
      %swap3A_66 = arith.constant 0 : index
      %swap3A_67 = memref.load %arg7[%swap3A_66] : memref<1xf32, #tpu.memory_space<smem>>
      memref.store %div3A_65, %arg7[%swap3A_66] : memref<1xf32, #tpu.memory_space<smem>>
      %get3A_68 = arith.constant 0 : index
      %get3A_69 = arith.constant 0 : index
      %get3A_70 = vector.load %arg3[%get3A_68, %get3A_69] : memref<2x8192xf32, #tpu.memory_space<vmem>>, vector<2x8192xf32>
      %slice3A = vector.extract_strided_slice %get3A_70 {offsets = [0, 0], sizes = [1, 8192], strides = [1, 1]} : vector<2x8192xf32> to vector<1x8192xf32>
      %squeeze3A = vector.shape_cast %slice3A : vector<1x8192xf32> to vector<8192xf32>
      %slice3A_71 = vector.extract_strided_slice %get3A_70 {offsets = [1, 0], sizes = [1, 8192], strides = [1, 1]} : vector<2x8192xf32> to vector<1x8192xf32>
      %squeeze3A_72 = vector.shape_cast %slice3A_71 : vector<1x8192xf32> to vector<8192xf32>
      %add3A_73 = arith.addf %squeeze3A, %squeeze3A_72 : vector<8192xf32>
      %div3A_74 = arith.constant 9.216000e+03 : f32
      %div3A_75 = vector.broadcast %div3A_74 : f32 to vector<8192xf32>
      %div3A_76 = arith.divf %add3A_73, %div3A_75 : vector<8192xf32>
      %add3A_77 = arith.constant 1.000000e-10 : f32
      %add3A_78 = vector.broadcast %add3A_77 : f32 to vector<8192xf32>
      %add3A_79 = arith.addf %div3A_76, %add3A_78 : vector<8192xf32>
      %log3A = math.log %add3A_79 : vector<8192xf32>
      %mul3A_80 = arith.mulf %div3A_76, %log3A : vector<8192xf32>
      %reduce_sum3A_81 = vector.shape_cast %mul3A_80 : vector<8192xf32> to vector<1x8192xf32>
      %reduce_sum3A_82 = arith.constant dense<0.000000e+00> : vector<1xf32>
      %reduce_sum3A_83 = vector.multi_reduction <add>, %reduce_sum3A_81, %reduce_sum3A_82 [1] : vector<1x8192xf32> to vector<1xf32>
      %reduce_sum3A_84 = vector.shape_cast %reduce_sum3A_83 : vector<1xf32> to vector<1x1xf32>
      %reduce_sum3A_85 = vector.extract %reduce_sum3A_84[0, 0] : f32 from vector<1x1xf32>
      %neg3A = arith.constant 0.000000e+00 : f32
      %neg3A_86 = arith.subf %neg3A, %reduce_sum3A_85 : f32
      %broadcast_in_dim3A_87 = vector.broadcast %neg3A_86 : f32 to vector<8x128xf32>
      %exp3A = math.exp %broadcast_in_dim3A_87 : vector<8x128xf32>
      %slice3A_88 = vector.extract_strided_slice %exp3A {offsets = [0, 0], sizes = [1, 1], strides = [1, 1]} : vector<8x128xf32> to vector<1x1xf32>
      %squeeze3A_89 = vector.extract %slice3A_88[0, 0] : f32 from vector<1x1xf32>
      %swap3A_90 = arith.constant 0 : index
      %swap3A_91 = memref.load %arg8[%swap3A_90] : memref<1xf32, #tpu.memory_space<smem>>
      memref.store %squeeze3A_89, %arg8[%swap3A_90] : memref<1xf32, #tpu.memory_space<smem>>
    } else {
    }
    return
  }
  func.func @transform_0(%arg0: i32) -> (i32, i32) {
    %c0_i32 = arith.constant 0 : i32
    %c0_i32_0 = arith.constant 0 : i32
    return %arg0, %c0_i32 : i32, i32
  }
  func.func @transform_1(%arg0: i32) -> (i32, i32) {
    %c0_i32 = arith.constant 0 : i32
    %c0_i32_0 = arith.constant 0 : i32
    return %arg0, %c0_i32 : i32, i32
  }
  func.func @transform_2(%arg0: i32) -> (i32, i32) {
    %c0_i32 = arith.constant 0 : i32
    %c0_i32_0 = arith.constant 0 : i32
    %c0_i32_1 = arith.constant 0 : i32
    return %c0_i32, %c0_i32_0 : i32, i32
  }
  func.func @transform_3(%arg0: i32) -> (i32, i32) {
    %c0_i32 = arith.constant 0 : i32
    %c0_i32_0 = arith.constant 0 : i32
    return %arg0, %c0_i32 : i32, i32
  }
  func.func @transform_4(%arg0: i32) -> i32 {
    %c0_i32 = arith.constant 0 : i32
    %c0_i32_0 = arith.constant 0 : i32
    return %c0_i32 : i32
  }
  func.func @transform_5(%arg0: i32) -> i32 {
    %c0_i32 = arith.constant 0 : i32
    %c0_i32_0 = arith.constant 0 : i32
    return %c0_i32 : i32
  }
  func.func @transform_6(%arg0: i32) -> i32 {
    %c0_i32 = arith.constant 0 : i32
    %c0_i32_0 = arith.constant 0 : i32
    return %c0_i32 : i32
  }
  func.func @transform_7(%arg0: i32) -> i32 {
    %c0_i32 = arith.constant 0 : i32
    %c0_i32_0 = arith.constant 0 : i32
    return %c0_i32 : i32
  }
}

</mosaic_0001>

<sc_bundles>
// kernel: kernel.7.cloned.1.call-start
scs
__scs_entry_jumppad:
0x0: {  	(pc) =	sbr.rel $0x88, $3  }
0x1: {  	(tag) =	ssettag $0x0;
	lr =	simm.s32 $0x1  }
0x2: {  	[smem:$0x3F9F] =	sst lr;
	_ =	strace $0xD0000000  }
0x3: {  	_ = 	snop  }
0x4: {  	_ = 	snop  }
0x5: {  	_ = 	snop  }
0x6: {  	_ = 	snop  }
0x7: {  	_ = 	snop  }
__scs_overlays_trampoline_lowered:
0x8: {  	[smem:$0x3FAE] =	sst s0  }
0x9: {  	[smem:$0x3FAF] =	sst s1  }
0xa: {  	[smem:$0x3FB0] =	sst s2  }
0xb: {  	[smem:$0x3FB1] =	sst s3  }
0xc: {  	[smem:$0x3FB2] =	sst s4  }
0xd: {  	[smem:$0x3FB3] =	sst s5  }
0xe: {  	[smem:$0x3FB4] =	sst s6  }
0xf: {  	[smem:$0x3FB5] =	sst s7  }
0x10: {  	[smem:$0x3FB6] =	sst s8  }
0x11: {  	[smem:$0x3FB7] =	sst s9;
	s0 =	simm.s32 @!p0 $0x0  }
0x12: {  	s1 =	sld [smem:$0x3F9D];
	s0 =	simm.s32 @p0 $0x1  }
0x13: {  	[smem:$0x3FB8] =	sst s0;
	s0 =	simm.s32 @!p1 $0x0  }
0x14: {  	s2 =	sld [smem:$0x3F9C];
	s0 =	simm.s32 @p1 $0x1  }
0x15: {  	[smem:$0x3FB9] =	sst s0;
	s0 =	simm.s32 @!p2 $0x0  }
0x16: {  	s3 =	sld [smem:$0x3FDB];
	s0 =	simm.s32 @p2 $0x1  }
0x17: {  	s4 =	simm.s32 $0x1BF5;
	[smem:$0x3FBB] =	sst s0  }
0x18: {  	s0 =	sld [smem:$0x3F9E];
	_ =	swait.ge [sflag:s4], $0x0  }
0x19: {  	s7 =	sld [smem:$0x3F9F]  }
0x1a: {  	s8 =	sadd.s32 $0xFFFFE003, lr  }
0x1b: {  	s9 =	sadd.s32 $0xFFFFFEF7, lr;
	s5 =	simm.s32 $0xFFFFFFFF;
	p2 =	slt.u32 s8, $0xFFFFF086  }
0x1c: {  	p1 =	slt.u32 s9, $0xF7A;
	s5 =	simm.s32 @!p2 $0x0  }
0x1d: {  	s5 =	simm.s32 @p1 $0x1;
	p0 =	seq.s32 s7, s2  }
0x1e: {  	s7 =	smul.u32 @!p0 $0xF7A, s2;
	p2 =	seq.s32 @!p0 s5, $0x0  }
0x1f: {  	s9 =	smul.u32 $0xF7A, s1;
	s8 =	simm.s32 @!p0 $0x1BF5;
	p2 =	por !p2, p0  }
0x20: {  	[sflag:s8] =	ssyncset.s32 @!p0 $0xFFFFF086;
	s6 =	sadd.s32 @!p0 s3, s7;
	s7 =	simm.s32 @!p0 $0x108  }
0x21: {  	s3 =	sadd.s32 s3, s9;
	s6 =	sadd.s32 @!p0 $0x88, s6;
	s7 =	simm.s32 @p2 $0x1082  }
0x22: {  	[simem:s7], [sflag:s8] =	dma.local @!p0 [hbm:s6], $0xF7A  }
0x23: {  	s9 =	sor.u32 $0xD0000000, s2;
	s6 =	simm.s32 $0x108;
	_ =	swait.ge @!p0 [sflag:s8], $0x0  }
0x24: {  	s3 =	sadd.s32 $0x88, s3;
	s6 =	simm.s32 @!p1 $0x1082;
	[sflag:s4] =	ssyncset.s32 $0xFFFFF086  }
0x25: {  	[simem:s6], [sflag:s4] =	dma.local [hbm:s3], $0xF7A  }
0x26: {  	[smem:$0x3F9F] =	sst s1;
	(tag) =	ssettag s2;
	_ =	strace s9  }
0x27: {  	s1 =	sld [smem:$0x3FAF]  }
0x28: {  	s2 =	sld [smem:$0x3FB0]  }
0x29: {  	s4 =	sld [smem:$0x3FB2]  }
0x2a: {  	p0 =	seq.s32 s5, $0x0;
	s5 =	sld [smem:$0x3FB3]  }
0x2b: {  	s6 =	sld [smem:$0x3FB4]  }
0x2c: {  	s7 =	sld [smem:$0x3FB5]  }
0x2d: {  	s3 =	simm.s32 $0x108;
	s8 =	sld [smem:$0x3FB6]  }
0x2e: {  	s3 =	simm.s32 @!p0 $0x1082;
	s9 =	sld [smem:$0x3FB7]  }
0x2f: {  	lr =	sadd.s32 s0, s3;
	s0 =	sld [smem:$0x3FAE]  }
0x30: {  	s3 =	sld [smem:$0x3FB1]  }
0x31: {  	[smem:$0x3FBA] =	sst s10  }
0x32: {  	s10 =	sld [smem:$0x3FB8];
	_ =	sdelay $0x3  }
0x33: {  	p0 =	seq.s32 s10, $0x1;
	s10 =	sld [smem:$0x3FBA];
	_ =	sdelay $0x3  }
0x34: {  	[smem:$0x3FBA] =	sst s10  }
0x35: {  	s10 =	sld [smem:$0x3FB9];
	_ =	sdelay $0x3  }
0x36: {  	p1 =	seq.s32 s10, $0x1;
	s10 =	sld [smem:$0x3FBA];
	_ =	sdelay $0x3  }
0x37: {  	[smem:$0x3FBA] =	sst s10  }
0x38: {  	s10 =	sld [smem:$0x3FBB]  }
0x39: {  	_ = 	snop;
	(pc) =	sbr.ind lr, $3  }
0x3a: {  	_ = 	snop  }
0x3b: {  	_ = 	snop  }
0x3c: {  	p2 =	seq.s32 s10, $0x1;
	s10 =	sld [smem:$0x3FBA]  }
0x3d: {  	_ =	shalt  }
0x3e: {  	_ =	shalt  }
0x3f: {  	_ =	shalt  }
0x40: {  	_ =	shalt  }
0x41: {  	_ =	shalt  }
0x42: {  	_ =	shalt  }
0x43: {  	_ =	shalt  }
0x44: {  	_ =	shalt  }
0x45: {  	_ =	shalt  }
0x46: {  	_ =	shalt  }
0x47: {  	_ =	shalt  }
0x48: {  	_ =	shalt  }
0x49: {  	_ =	shalt  }
0x4a: {  	_ =	shalt  }
0x4b: {  	_ =	shalt  }
0x4c: {  	_ =	shalt  }
0x4d: {  	_ =	shalt  }
0x4e: {  	_ =	shalt  }
0x4f: {  	_ =	shalt  }
0x50: {  	_ =	shalt  }
0x51: {  	_ =	shalt  }
0x52: {  	_ =	shalt  }
0x53: {  	_ =	shalt  }
0x54: {  	_ =	shalt  }
0x55: {  	_ =	shalt  }
0x56: {  	_ =	shalt  }
0x57: {  	_ =	shalt  }
0x58: {  	_ =	shalt  }
0x59: {  	_ =	shalt  }
0x5a: {  	_ =	shalt  }
0x5b: {  	_ =	shalt  }
0x5c: {  	_ =	shalt  }
0x5d: {  	_ =	shalt  }
0x5e: {  	_ =	shalt  }
0x5f: {  	_ =	shalt  }
0x60: {  	_ =	shalt  }
0x61: {  	_ =	shalt  }
0x62: {  	_ =	shalt  }
0x63: {  	_ =	shalt  }
0x64: {  	_ =	shalt  }
0x65: {  	_ =	shalt  }
0x66: {  	_ =	shalt  }
0x67: {  	_ =	shalt  }
0x68: {  	_ =	shalt  }
0x69: {  	_ =	shalt  }
0x6a: {  	_ =	shalt  }
0x6b: {  	_ =	shalt  }
0x6c: {  	_ =	shalt  }
0x6d: {  	_ =	shalt  }
0x6e: {  	_ =	shalt  }
0x6f: {  	_ =	shalt  }
0x70: {  	_ =	shalt  }
0x71: {  	_ =	shalt  }
0x72: {  	_ =	shalt  }
0x73: {  	_ =	shalt  }
0x74: {  	_ =	shalt  }
0x75: {  	_ =	shalt  }
0x76: {  	_ =	shalt  }
0x77: {  	_ =	shalt  }
0x78: {  	_ =	shalt  }
0x79: {  	_ =	shalt  }
0x7a: {  	_ =	shalt  }
0x7b: {  	_ =	shalt  }
0x7c: {  	_ =	shalt  }
0x7d: {  	_ =	shalt  }
0x7e: {  	_ =	shalt  }
0x7f: {  	_ =	shalt  }
0x80: {  	_ =	shalt  }
0x81: {  	_ =	shalt  }
0x82: {  	_ =	shalt  }
0x83: {  	_ =	shalt  }
0x84: {  	_ =	shalt  }
0x85: {  	_ =	shalt  }
0x86: {  	_ =	shalt  }
0x87: {  	_ =	shalt  }
.Lfunc_end0:
.L_simem_size_0:
called_computation_lowered:
.L_overlay_start_0:
0x88: {  	s2 =	sld [smem:$0x3FD9]  }
0x89: {  	s3 =	sld [smem:$0x3FFE];
	_ =	sdelay $0x1  }
0x8a: {  	s1 =	srdreg.scid  }
0x8b: {  	s0 =	sand.u32 $0x1, s1  }
0x8c: {  	s14 =	sshll.u32 s0, $0xA;
	s2 =	sadd.s32 s3, s2  }
0x8d: {  	s2 =	sadd.s32 s2, s14  }
0x8e: {  	[smem:$0x3FC6] =	sst s2  }
0x8f: {  	_ = 	snop  }
0x90: {  	s2 =	sld [smem:$0x3FD0];
	_ =	sdelay $0x2  }
0x91: {  	s4 =	simm.s32 $0xA;
	s5 =	simm.s32 $0x10;
	s15 =	sld [smem:$0x3FC8]  }
0x92: {  	[smem:s5], [sflag:s4] =	dma.local [hbm:s2], $0x1  }
0x93: {  	_ =	swait.eq [sflag:s4], $0x1  }
0x94: {  	[sflag:s4] =	ssyncset.done $0x0  }
0x95: {  	[sflag:s4] =	ssyncadd.s32 $0xFFFFFFFF  }
0x96: {  	s16 =	sld [smem:$0x10];
	(tm) =	ssettm $0x1  }
0x97: {  	s17 =	sld [smem:$0x3FFB];
	_ =	sdelay $0x3  }
0x98: {  	_ =	strace s17  }
0x99: {  	s4 =	sld [smem:$0x3FFC];
	_ =	sdelay $0x3  }
0x9a: {  	_ =	strace s4  }
0x9b: {  	s4 =	sld [smem:$0x3FFD];
	_ =	sdelay $0x3  }
0x9c: {  	_ =	strace s4  }
0x9d: {  	_ =	strace $0x8FFFFFFF  }
0x9e: {  	s18 =	sld [smem:$0x3FDB];
	_ =	sdelay $0x1  }
0x9f: {  	s19 =	simm.s32 $_scs_section_size  }
0xa0: {  	s6 =	simm.s32 $_size__tile_overlayer_lowered;
	s7 =	simm.s32 $_tile_overlayer_lowered  }
0xa1: {  	s22 =	simm.s32 $0x1BFF;
	s21 =	sshll.u32 s7, $0x1;
	s4 =	sadd.s32 s19, s18  }
0xa2: {  	s8 =	simm.s32 $0x0;
	s20 =	sshll.u32 s6, $0x1;
	s6 =	sadd.s32 s21, s4  }
0xa3: {  	[timem:s8], [sflag:s22] =	dma.local [hbm:s6], s20  }
0xa4: {  	_ =	swait.ge [sflag:s22], s20  }
0xa5: {  	s5 =	ssub.s32 $0x0, s20;
	[sflag:s22] =	ssyncset.done $0x0  }
0xa6: {  	[sflag:s22] =	ssyncadd.s32 s5;
	_ =	sdelay $0x1  }
0xa7: {  	s23 =	simm.s32 $0x1B8B  }
0xa8: {  	_ =	swait.ge [sflag:s23], $0x1  }
0xa9: {  	[sflag:s23] =	ssyncset.done $0x0  }
0xaa: {  	s25 =	simm.s32 $0x1B8E;
	s24 =	sld [smem:$0x3FFE];
	[sflag:s23] =	ssyncadd.s32 $0xFFFFFFFF  }
0xab: {  	s26 =	simm.s32 $execute0_lowered;
	[smem:$0x3FD2] =	sst s25  }
0xac: {  	s6 =	sshll.u32 s26, $0x1;
	_ =	strace $0x80000046;
	[dreg:$0x1] =	wrdreg $0xFFFFFFFF  }
0xad: {  	s28 =	simm.s32 $_size_execute0_lowered;
	s4 =	sadd.s32 s4, s6;
	[dreg:$0x0] =	wrdreg $0x0  }
0xae: {  	s6 =	sshll.u32 s28, $0x1;
	[dreg:$0x2] =	wrdreg s4  }
0xaf: {  	[dreg:$0x3] =	wrdreg s6  }
0xb0: {  	[dreg:$0x4] =	wrdreg $0xC0  }
0xb1: {  	_ =	task [dreg:s8], $0x5FFFF  }
0xb2: {  	[dreg:$0x1] =	wrdreg $0xFFFFFFFF  }
0xb3: {  	[dreg:$0x0] =	wrdreg $0x60  }
0xb4: {  	[dreg:$0x2] =	wrdreg s15  }
0xb5: {  	[dreg:$0x3] =	wrdreg s24  }
0xb6: {  	[dreg:$0x4] =	wrdreg s16  }
0xb7: {  	[dreg:$0x5] =	wrdreg $0x142800  }
0xb8: {  	[dreg:$0x6] =	wrdreg $0x9  }
0xb9: {  	_ =	task.clear_ibuf [dreg:s8], $0x7FFFF;
	_ =	strace $0x90000046  }
0xba: {  	s29 =	simm.s32 $0x9;
	_ =	strace $0x80000048  }
0xbb: {  	_ =	swait.ge [sflag:s29], $0x1  }
0xbc: {  	[sflag:s29] =	ssyncadd.s32 $0xFFFFFFFF  }
0xbd: {  	_ =	strace $0x90000048  }
0xbe: {  	_ =	sfence  }
0xbf: {  	s30 =	sld [smem:$0x0];
	_ =	sdelay $0x2  }
0xc0: {  	s31 =	sshll.u32 s1, $0xD;
	s1 =	sshrl.u32 s1, $0x2  }
0xc1: {  	s3 =	sand.u32 $0x4000, s31;
	s1 =	sadd.s32 s1, s30  }
0xc2: {  	s0 =	sor.u32 s3, s0;
	s1 =	sshll.u32 s1, $0x11  }
0xc3: {  	s0 =	sor.u32 s1, s0  }
0xc4: {  	s0 =	sadd.s32 $0x8F2B, s0  }
0xc5: {  	[sflag:s0] =	ssyncadd.remote.s32 $0x1  }
0xc6: {  	_ =	sfence.sel $0xFFFF  }
0xc7: {  	[dreg:$0x0] =	wrdreg $0xFFFFFFFF;
	(pc) =	sbr.abs _section_cstart, $3  }
0xc8: {  	[dreg:$0x1] =	wrdreg $0xFFFFFFFF  }
0xc9: {  	_ =	task.clear_ibuf [dreg:s8], $0x2FFFF;
	_ =	strace $0x9FFFFFFF  }
0xca: {  	(tm) =	ssettm $0x7FFFFFFF  }
0xcb: {  	_ =	shalt  }
tec
execute0_lowered:
.L_overlay_start_1:
0x0: {  	(tag) =	ssettag $0x1  }
0x1: {  	s1 =	rddreg [dreg:$0x0]  }
0x2: {  	s0 =	rddreg [dreg:$0x1]  }
0x3: {  	s5 =	rddreg [dreg:$0x2]  }
0x4: {  	s2 =	rddreg [dreg:$0x3];
	s3 =	srdreg.scid  }
0x5: {  	s8 =	stileid.u32;
	s13 =	simm.s32 $0xCA00;
	s14 =	simm.s32 $0xD200  }
0x6: {  	s15 =	simm.s32 $0xDA00;
	s16 =	simm.s32 $0xE200;
	s17 =	simm.s32 $0xEA00  }
0x7: {  	s18 =	simm.s32 $0xF200;
	s19 =	simm.s32 $0xFA00;
	s20 =	simm.s32 $0x10200  }
0x8: {  	s21 =	simm.s32 $0x10A00;
	s22 =	simm.s32 $0x11200;
	s23 =	simm.s32 $0x11A00  }
0x9: {  	s24 =	simm.s32 $0x1;
	s25 =	simm.s32 $0x60;
	s26 =	simm.s32 $0x12200  }
0xa: {  	s28 =	simm.s32 $0x80;
	s29 =	simm.s32 $0x100;
	s30 =	simm.s32 $0x0  }
0xb: {  	s4 =	sand.u32 $0x1, s3;
	s3 =	simm.s32 $0x0;
	p0 =	sne.s32 s8, $0x0  }
0xc: {  	s6 =	sshll.u32 s4, $0x4;
	[smem:$0x7FF] =	sst s3;
	s4 =	ssub.s32 $0x2, s4  }
.Ltmp0:
0xd: {  	s7 =	sor.u32 s8, s6;
	_ =	strace $0x80000047;
	(pc) =	sbr.rel .LBB2_1-.Ltmp0, $4  }
0xe: {  	s10 =	sshrl.u32 s4, $0x1;
	s9 =	sshll.u32 s7, $0x6;
	s7 =	smul.u32 $0x2400, s7  }
0xf: {  	v0 =	vimm.f32 $0.0e+00;
	v4 =	vlaneseq.u32;
	s10 =	ssub.s32 s4, s10;
	s9 =	sadd.s32 s9, s0;
	s0 =	sadd.s32 s6, s0  }
0x10: {  	v1 =	vimm.f32 $1.000000000e+00;
	vm0 =	vmmov $0xffff;
	v3 =	vshrl.u32 v4, $0x3;
	s4 =	sadd.s32 $0x2400, s9;
	s5 =	sadd.s32 s5, s7;
	s6 =	sadd.s32 $0x2C00, s0  }
0x11: {  	v2 =	vand.u32 $0x7, v4;
	v4 =	vor.u32 $0x8, v4;
	v3 =	vmul.u32 $0x8, v3;
	s7 =	smax.u32 s10, $0x1;
	s9 =	simm.s32 $0x2;
	s10 =	simm.s32 $0x200  }
.LBB2_5:
0x12: {  	[tilespmem:$0x12200] =	vst v1  }
0x13: {  	[tilespmem:$0x12210] =	vst v1  }
0x14: {  	[tilespmem:$0x12220] =	vst v1  }
0x15: {  	[tilespmem:$0x12230] =	vst v1  }
0x16: {  	[tilespmem:$0x12240] =	vst v1  }
0x17: {  	[tilespmem:$0x12250] =	vst v1  }
0x18: {  	[tilespmem:s3], [sflag:$0x2] =	stream.linear.gather [hbm4b:s4+s3], $0x180, $0x38;
	[tilespmem:$0x14480] =	vst v63  }
0x19: {  	_ =	swait.ge [sflag:s9], $0x180  }
0x1a: {  	[sflag:s9] =	ssyncset.done $0x0  }
0x1b: {  	[sflag:s9] =	ssyncadd.s32 $0xFFFFFE80  }
0x1c: {  	v5 =	vld [tilespmem:$0x0];
	_ =	sdelay $0x4  }
0x1d: {  	v6 =	vshll.u32 v5, $0x1  }
0x1e: {  	v5 =	vand.u32 $0x7, v5;
	v6 =	vand.u32 $0xFFFFFFF0, v6  }
0x1f: {  	v5 =	vor.u32 v5, v6  }
0x20: {  	v6 =	vperm.xlane v5, v2;
	_ =	sdelay $0x1  }
0x21: {  	v5 =	vperm.xlane v5, v4;
	v6 =	vadd.s32 v3, v6;
	_ =	sdelay $0x1  }
0x22: {  	v5 =	vadd.s32 v3, v5;
	_ =	sdelay $0x2  }
0x23: {  	[tilespmem:s10], [sflag:$0x1] =	stream.indirect_vreg.gather [hbm4b:s1+s3], $0x80, v6, vm0, $0xb8;
	[tilespmem:$0x14480] =	vst v63  }
0x24: {  	s0 =	simm.s32 $0xA00  }
0x25: {  	[tilespmem:s0], [sflag:$0x1] =	stream.indirect_vreg.gather [hbm4b:s1+s3], $0x80, v5, vm0, $0xb8;
	[tilespmem:$0x14480] =	vst v63  }
0x26: {  	v5 =	vld [tilespmem:$0x10];
	_ =	sdelay $0x4  }
0x27: {  	v6 =	vshll.u32 v5, $0x1  }
0x28: {  	v5 =	vand.u32 $0x7, v5;
	v6 =	vand.u32 $0xFFFFFFF0, v6  }
0x29: {  	v5 =	vor.u32 v5, v6  }
0x2a: {  	v6 =	vperm.xlane v5, v2;
	_ =	sdelay $0x1  }
0x2b: {  	v5 =	vperm.xlane v5, v4;
	v6 =	vadd.s32 v3, v6;
	_ =	sdelay $0x1  }
0x2c: {  	v5 =	vadd.s32 v3, v5;
	_ =	sdelay $0x1  }
0x2d: {  	s11 =	simm.s32 $0x1200  }
0x2e: {  	[tilespmem:s11], [sflag:$0x1] =	stream.indirect_vreg.gather [hbm4b:s1+s3], $0x80, v6, vm0, $0xb8;
	[tilespmem:$0x14480] =	vst v63  }
0x2f: {  	s12 =	simm.s32 $0x1A00  }
0x30: {  	[tilespmem:s12], [sflag:$0x1] =	stream.indirect_vreg.gather [hbm4b:s1+s3], $0x80, v5, vm0, $0xb8;
	[tilespmem:$0x14480] =	vst v63  }
0x31: {  	v5 =	vld [tilespmem:$0x20];
	_ =	sdelay $0x4  }
0x32: {  	v6 =	vshll.u32 v5, $0x1  }
0x33: {  	v5 =	vand.u32 $0x7, v5;
	v6 =	vand.u32 $0xFFFFFFF0, v6  }
0x34: {  	v5 =	vor.u32 v5, v6  }
0x35: {  	v6 =	vperm.xlane v5, v2;
	_ =	sdelay $0x1  }
0x36: {  	v5 =	vperm.xlane v5, v4;
	v6 =	vadd.s32 v3, v6;
	_ =	sdelay $0x1  }
0x37: {  	v5 =	vadd.s32 v3, v5;
	_ =	sdelay $0x1  }
0x38: {  	s31 =	simm.s32 $0x2200  }
0x39: {  	[tilespmem:s31], [sflag:$0x1] =	stream.indirect_vreg.gather [hbm4b:s1+s3], $0x80, v6, vm0, $0xb8;
	[tilespmem:$0x14480] =	vst v63  }
0x3a: {  	s8 =	simm.s32 $0x2A00  }
0x3b: {  	[tilespmem:s8], [sflag:$0x1] =	stream.indirect_vreg.gather [hbm4b:s1+s3], $0x80, v5, vm0, $0xb8;
	[tilespmem:$0x14480] =	vst v63  }
0x3c: {  	v5 =	vld [tilespmem:$0x30];
	_ =	sdelay $0x4  }
0x3d: {  	v6 =	vshll.u32 v5, $0x1  }
0x3e: {  	v5 =	vand.u32 $0x7, v5;
	v6 =	vand.u32 $0xFFFFFFF0, v6  }
0x3f: {  	v5 =	vor.u32 v5, v6  }
0x40: {  	v6 =	vperm.xlane v5, v2;
	_ =	sdelay $0x1  }
0x41: {  	v5 =	vperm.xlane v5, v4;
	v6 =	vadd.s32 v3, v6;
	_ =	sdelay $0x1  }
0x42: {  	v5 =	vadd.s32 v3, v5;
	_ =	sdelay $0x1  }
0x43: {  	s11 =	simm.s32 $0x3200  }
0x44: {  	[tilespmem:s11], [sflag:$0x1] =	stream.indirect_vreg.gather [hbm4b:s1+s3], $0x80, v6, vm0, $0xb8;
	[tilespmem:$0x14480] =	vst v63  }
0x45: {  	s12 =	simm.s32 $0x3A00  }
0x46: {  	[tilespmem:s12], [sflag:$0x1] =	stream.indirect_vreg.gather [hbm4b:s1+s3], $0x80, v5, vm0, $0xb8;
	[tilespmem:$0x14480] =	vst v63  }
0x47: {  	v5 =	vld [tilespmem:$0x40];
	_ =	sdelay $0x4  }
0x48: {  	v6 =	vshll.u32 v5, $0x1  }
0x49: {  	v5 =	vand.u32 $0x7, v5;
	v6 =	vand.u32 $0xFFFFFFF0, v6  }
0x4a: {  	v5 =	vor.u32 v5, v6  }
0x4b: {  	v6 =	vperm.xlane v5, v2;
	_ =	sdelay $0x1  }
0x4c: {  	v5 =	vperm.xlane v5, v4;
	v6 =	vadd.s32 v3, v6;
	_ =	sdelay $0x1  }
0x4d: {  	v5 =	vadd.s32 v3, v5;
	_ =	sdelay $0x1  }
0x4e: {  	s31 =	simm.s32 $0x4200  }
0x4f: {  	[tilespmem:s31], [sflag:$0x1] =	stream.indirect_vreg.gather [hbm4b:s1+s3], $0x80, v6, vm0, $0xb8;
	[tilespmem:$0x14480] =	vst v63  }
0x50: {  	s8 =	simm.s32 $0x4A00  }
0x51: {  	[tilespmem:s8], [sflag:$0x1] =	stream.indirect_vreg.gather [hbm4b:s1+s3], $0x80, v5, vm0, $0xb8;
	[tilespmem:$0x14480] =	vst v63  }
0x52: {  	v5 =	vld [tilespmem:$0x50];
	_ =	sdelay $0x4  }
0x53: {  	v6 =	vshll.u32 v5, $0x1  }
0x54: {  	v5 =	vand.u32 $0x7, v5;
	v6 =	vand.u32 $0xFFFFFFF0, v6  }
0x55: {  	v5 =	vor.u32 v5, v6  }
0x56: {  	v6 =	vperm.xlane v5, v2;
	_ =	sdelay $0x1  }
0x57: {  	v5 =	vperm.xlane v5, v4;
	v6 =	vadd.s32 v3, v6;
	_ =	sdelay $0x1  }
0x58: {  	v5 =	vadd.s32 v3, v5;
	_ =	sdelay $0x1  }
0x59: {  	s11 =	simm.s32 $0x5200  }
0x5a: {  	[tilespmem:s11], [sflag:$0x1] =	stream.indirect_vreg.gather [hbm4b:s1+s3], $0x80, v6, vm0, $0xb8;
	[tilespmem:$0x14480] =	vst v63  }
0x5b: {  	s12 =	simm.s32 $0x5A00  }
0x5c: {  	[tilespmem:s12], [sflag:$0x1] =	stream.indirect_vreg.gather [hbm4b:s1+s3], $0x80, v5, vm0, $0xb8;
	[tilespmem:$0x14480] =	vst v63  }
0x5d: {  	v5 =	vld [tilespmem:$0x80];
	_ =	sdelay $0x4  }
0x5e: {  	v6 =	vshll.u32 v5, $0x1  }
0x5f: {  	v5 =	vand.u32 $0x7, v5;
	v6 =	vand.u32 $0xFFFFFFF0, v6  }
0x60: {  	v5 =	vor.u32 v5, v6  }
0x61: {  	v6 =	vperm.xlane v5, v2;
	_ =	sdelay $0x1  }
0x62: {  	v5 =	vperm.xlane v5, v4;
	v6 =	vadd.s32 v3, v6;
	_ =	sdelay $0x1  }
0x63: {  	v5 =	vadd.s32 v3, v5;
	_ =	sdelay $0x1  }
0x64: {  	s31 =	simm.s32 $0x6200  }
0x65: {  	[tilespmem:s31], [sflag:$0x1] =	stream.indirect_vreg.gather [hbm4b:s1+s3], $0x80, v6, vm0, $0xb8;
	[tilespmem:$0x14480] =	vst v63  }
0x66: {  	s8 =	simm.s32 $0x6A00  }
0x67: {  	[tilespmem:s8], [sflag:$0x1] =	stream.indirect_vreg.gather [hbm4b:s1+s3], $0x80, v5, vm0, $0xb8;
	[tilespmem:$0x14480] =	vst v63  }
0x68: {  	v5 =	vld [tilespmem:$0x90];
	_ =	sdelay $0x4  }
0x69: {  	v6 =	vshll.u32 v5, $0x1  }
0x6a: {  	v5 =	vand.u32 $0x7, v5;
	v6 =	vand.u32 $0xFFFFFFF0, v6  }
0x6b: {  	v5 =	vor.u32 v5, v6  }
0x6c: {  	v6 =	vperm.xlane v5, v2;
	_ =	sdelay $0x1  }
0x6d: {  	v5 =	vperm.xlane v5, v4;
	v6 =	vadd.s32 v3, v6;
	_ =	sdelay $0x1  }
0x6e: {  	v5 =	vadd.s32 v3, v5;
	_ =	sdelay $0x1  }
0x6f: {  	s11 =	simm.s32 $0x7200  }
0x70: {  	[tilespmem:s11], [sflag:$0x1] =	stream.indirect_vreg.gather [hbm4b:s1+s3], $0x80, v6, vm0, $0xb8;
	[tilespmem:$0x14480] =	vst v63  }
0x71: {  	s12 =	simm.s32 $0x7A00  }
0x72: {  	[tilespmem:s12], [sflag:$0x1] =	stream.indirect_vreg.gather [hbm4b:s1+s3], $0x80, v5, vm0, $0xb8;
	[tilespmem:$0x14480] =	vst v63  }
0x73: {  	v5 =	vld [tilespmem:$0xA0];
	_ =	sdelay $0x4  }
0x74: {  	v6 =	vshll.u32 v5, $0x1  }
0x75: {  	v5 =	vand.u32 $0x7, v5;
	v6 =	vand.u32 $0xFFFFFFF0, v6  }
0x76: {  	v5 =	vor.u32 v5, v6  }
0x77: {  	v6 =	vperm.xlane v5, v2;
	_ =	sdelay $0x1  }
0x78: {  	v5 =	vperm.xlane v5, v4;
	v6 =	vadd.s32 v3, v6;
	_ =	sdelay $0x1  }
0x79: {  	v5 =	vadd.s32 v3, v5;
	_ =	sdelay $0x1  }
0x7a: {  	s31 =	simm.s32 $0x8200  }
0x7b: {  	[tilespmem:s31], [sflag:$0x1] =	stream.indirect_vreg.gather [hbm4b:s1+s3], $0x80, v6, vm0, $0xb8;
	[tilespmem:$0x14480] =	vst v63  }
0x7c: {  	s8 =	simm.s32 $0x8A00  }
0x7d: {  	[tilespmem:s8], [sflag:$0x1] =	stream.indirect_vreg.gather [hbm4b:s1+s3], $0x80, v5, vm0, $0xb8;
	[tilespmem:$0x14480] =	vst v63  }
0x7e: {  	v5 =	vld [tilespmem:$0xB0];
	_ =	sdelay $0x4  }
0x7f: {  	v6 =	vshll.u32 v5, $0x1  }
0x80: {  	v5 =	vand.u32 $0x7, v5;
	v6 =	vand.u32 $0xFFFFFFF0, v6  }
0x81: {  	v5 =	vor.u32 v5, v6  }
0x82: {  	v6 =	vperm.xlane v5, v2;
	_ =	sdelay $0x1  }
0x83: {  	v5 =	vperm.xlane v5, v4;
	v6 =	vadd.s32 v3, v6;
	_ =	sdelay $0x1  }
0x84: {  	v5 =	vadd.s32 v3, v5;
	_ =	sdelay $0x1  }
0x85: {  	s11 =	simm.s32 $0x9200  }
0x86: {  	[tilespmem:s11], [sflag:$0x1] =	stream.indirect_vreg.gather [hbm4b:s1+s3], $0x80, v6, vm0, $0xb8;
	[tilespmem:$0x14480] =	vst v63  }
0x87: {  	s12 =	simm.s32 $0x9A00  }
0x88: {  	[tilespmem:s12], [sflag:$0x1] =	stream.indirect_vreg.gather [hbm4b:s1+s3], $0x80, v5, vm0, $0xb8;
	[tilespmem:$0x14480] =	vst v63  }
0x89: {  	v5 =	vld [tilespmem:$0xC0];
	_ =	sdelay $0x4  }
0x8a: {  	v6 =	vshll.u32 v5, $0x1  }
0x8b: {  	v5 =	vand.u32 $0x7, v5;
	v6 =	vand.u32 $0xFFFFFFF0, v6  }
0x8c: {  	v5 =	vor.u32 v5, v6  }
0x8d: {  	v6 =	vperm.xlane v5, v2;
	_ =	sdelay $0x1  }
0x8e: {  	v5 =	vperm.xlane v5, v4;
	v6 =	vadd.s32 v3, v6;
	_ =	sdelay $0x1  }
0x8f: {  	v5 =	vadd.s32 v3, v5;
	_ =	sdelay $0x1  }
0x90: {  	s31 =	simm.s32 $0xA200  }
0x91: {  	[tilespmem:s31], [sflag:$0x1] =	stream.indirect_vreg.gather [hbm4b:s1+s3], $0x80, v6, vm0, $0xb8;
	[tilespmem:$0x14480] =	vst v63  }
0x92: {  	s8 =	simm.s32 $0xAA00  }
0x93: {  	[tilespmem:s8], [sflag:$0x1] =	stream.indirect_vreg.gather [hbm4b:s1+s3], $0x80, v5, vm0, $0xb8;
	[tilespmem:$0x14480] =	vst v63  }
0x94: {  	v5 =	vld [tilespmem:$0xD0];
	_ =	sdelay $0x4  }
0x95: {  	v6 =	vshll.u32 v5, $0x1  }
0x96: {  	v5 =	vand.u32 $0x7, v5;
	v6 =	vand.u32 $0xFFFFFFF0, v6  }
0x97: {  	v5 =	vor.u32 v5, v6  }
0x98: {  	v6 =	vperm.xlane v5, v2;
	_ =	sdelay $0x1  }
0x99: {  	v5 =	vperm.xlane v5, v4;
	v6 =	vadd.s32 v3, v6;
	_ =	sdelay $0x1  }
0x9a: {  	v5 =	vadd.s32 v3, v5;
	_ =	sdelay $0x1  }
0x9b: {  	s11 =	simm.s32 $0xB200  }
0x9c: {  	[tilespmem:s11], [sflag:$0x1] =	stream.indirect_vreg.gather [hbm4b:s1+s3], $0x80, v6, vm0, $0xb8;
	[tilespmem:$0x14480] =	vst v63  }
0x9d: {  	s12 =	simm.s32 $0xBA00  }
0x9e: {  	[tilespmem:s12], [sflag:$0x1] =	stream.indirect_vreg.gather [hbm4b:s1+s3], $0x80, v5, vm0, $0xb8;
	[tilespmem:$0x14480] =	vst v63  }
0x9f: {  	v5 =	vld [tilespmem:$0x100];
	_ =	sdelay $0x4  }
0xa0: {  	v6 =	vshll.u32 v5, $0x1  }
0xa1: {  	v5 =	vand.u32 $0x7, v5;
	v6 =	vand.u32 $0xFFFFFFF0, v6  }
0xa2: {  	v5 =	vor.u32 v5, v6  }
0xa3: {  	v6 =	vperm.xlane v5, v2;
	_ =	sdelay $0x1  }
0xa4: {  	v5 =	vperm.xlane v5, v4;
	v6 =	vadd.s32 v3, v6;
	_ =	sdelay $0x1  }
0xa5: {  	v5 =	vadd.s32 v3, v5;
	_ =	sdelay $0x1  }
0xa6: {  	s31 =	simm.s32 $0xC200  }
0xa7: {  	[tilespmem:s31], [sflag:$0x1] =	stream.indirect_vreg.gather [hbm4b:s1+s3], $0x80, v6, vm0, $0xb8;
	[tilespmem:$0x14480] =	vst v63  }
0xa8: {  	_ = 	snop  }
0xa9: {  	[tilespmem:s13], [sflag:$0x1] =	stream.indirect_vreg.gather [hbm4b:s1+s3], $0x80, v5, vm0, $0xb8;
	[tilespmem:$0x14480] =	vst v63  }
0xaa: {  	v5 =	vld [tilespmem:$0x110];
	_ =	sdelay $0x4  }
0xab: {  	v6 =	vshll.u32 v5, $0x1  }
0xac: {  	v5 =	vand.u32 $0x7, v5;
	v6 =	vand.u32 $0xFFFFFFF0, v6  }
0xad: {  	v5 =	vor.u32 v5, v6  }
0xae: {  	v6 =	vperm.xlane v5, v2;
	_ =	sdelay $0x1  }
0xaf: {  	v5 =	vperm.xlane v5, v4;
	v6 =	vadd.s32 v3, v6;
	_ =	sdelay $0x1  }
0xb0: {  	v5 =	vadd.s32 v3, v5;
	_ =	sdelay $0x2  }
0xb1: {  	[tilespmem:s14], [sflag:$0x1] =	stream.indirect_vreg.gather [hbm4b:s1+s3], $0x80, v6, vm0, $0xb8;
	[tilespmem:$0x14480] =	vst v63  }
0xb2: {  	_ = 	snop  }
0xb3: {  	[tilespmem:s15], [sflag:$0x1] =	stream.indirect_vreg.gather [hbm4b:s1+s3], $0x80, v5, vm0, $0xb8;
	[tilespmem:$0x14480] =	vst v63  }
0xb4: {  	v5 =	vld [tilespmem:$0x120];
	_ =	sdelay $0x4  }
0xb5: {  	v6 =	vshll.u32 v5, $0x1  }
0xb6: {  	v5 =	vand.u32 $0x7, v5;
	v6 =	vand.u32 $0xFFFFFFF0, v6  }
0xb7: {  	v5 =	vor.u32 v5, v6  }
0xb8: {  	v6 =	vperm.xlane v5, v2;
	_ =	sdelay $0x1  }
0xb9: {  	v5 =	vperm.xlane v5, v4;
	v6 =	vadd.s32 v3, v6;
	_ =	sdelay $0x1  }
0xba: {  	v5 =	vadd.s32 v3, v5;
	_ =	sdelay $0x2  }
0xbb: {  	[tilespmem:s16], [sflag:$0x1] =	stream.indirect_vreg.gather [hbm4b:s1+s3], $0x80, v6, vm0, $0xb8;
	[tilespmem:$0x14480] =	vst v63  }
0xbc: {  	_ = 	snop  }
0xbd: {  	[tilespmem:s17], [sflag:$0x1] =	stream.indirect_vreg.gather [hbm4b:s1+s3], $0x80, v5, vm0, $0xb8;
	[tilespmem:$0x14480] =	vst v63  }
0xbe: {  	v5 =	vld [tilespmem:$0x130];
	_ =	sdelay $0x4  }
0xbf: {  	v6 =	vshll.u32 v5, $0x1  }
0xc0: {  	v5 =	vand.u32 $0x7, v5;
	v6 =	vand.u32 $0xFFFFFFF0, v6  }
0xc1: {  	v5 =	vor.u32 v5, v6  }
0xc2: {  	v6 =	vperm.xlane v5, v2;
	_ =	sdelay $0x1  }
0xc3: {  	v5 =	vperm.xlane v5, v4;
	v6 =	vadd.s32 v3, v6;
	_ =	sdelay $0x1  }
0xc4: {  	v5 =	vadd.s32 v3, v5;
	_ =	sdelay $0x2  }
0xc5: {  	[tilespmem:s18], [sflag:$0x1] =	stream.indirect_vreg.gather [hbm4b:s1+s3], $0x80, v6, vm0, $0xb8;
	[tilespmem:$0x14480] =	vst v63  }
0xc6: {  	_ = 	snop  }
0xc7: {  	[tilespmem:s19], [sflag:$0x1] =	stream.indirect_vreg.gather [hbm4b:s1+s3], $0x80, v5, vm0, $0xb8;
	[tilespmem:$0x14480] =	vst v63  }
0xc8: {  	v5 =	vld [tilespmem:$0x140];
	_ =	sdelay $0x4  }
0xc9: {  	v6 =	vshll.u32 v5, $0x1  }
0xca: {  	v5 =	vand.u32 $0x7, v5;
	v6 =	vand.u32 $0xFFFFFFF0, v6  }
0xcb: {  	v5 =	vor.u32 v5, v6  }
0xcc: {  	v6 =	vperm.xlane v5, v2;
	_ =	sdelay $0x1  }
0xcd: {  	v5 =	vperm.xlane v5, v4;
	v6 =	vadd.s32 v3, v6;
	_ =	sdelay $0x1  }
0xce: {  	v5 =	vadd.s32 v3, v5;
	_ =	sdelay $0x2  }
0xcf: {  	[tilespmem:s20], [sflag:$0x1] =	stream.indirect_vreg.gather [hbm4b:s1+s3], $0x80, v6, vm0, $0xb8;
	[tilespmem:$0x14480] =	vst v63  }
0xd0: {  	_ = 	snop  }
0xd1: {  	[tilespmem:s21], [sflag:$0x1] =	stream.indirect_vreg.gather [hbm4b:s1+s3], $0x80, v5, vm0, $0xb8;
	[tilespmem:$0x14480] =	vst v63  }
0xd2: {  	v5 =	vld [tilespmem:$0x150];
	_ =	sdelay $0x4  }
0xd3: {  	v6 =	vshll.u32 v5, $0x1  }
0xd4: {  	v5 =	vand.u32 $0x7, v5;
	v6 =	vand.u32 $0xFFFFFFF0, v6  }
0xd5: {  	v5 =	vor.u32 v5, v6  }
0xd6: {  	v6 =	vperm.xlane v5, v2;
	_ =	sdelay $0x1  }
0xd7: {  	v5 =	vperm.xlane v5, v4;
	v6 =	vadd.s32 v3, v6;
	_ =	sdelay $0x1  }
0xd8: {  	v5 =	vadd.s32 v3, v5;
	_ =	sdelay $0x2  }
0xd9: {  	[tilespmem:s22], [sflag:$0x1] =	stream.indirect_vreg.gather [hbm4b:s1+s3], $0x80, v6, vm0, $0xb8;
	[tilespmem:$0x14480] =	vst v63  }
0xda: {  	_ = 	snop  }
0xdb: {  	[tilespmem:s23], [sflag:$0x1] =	stream.indirect_vreg.gather [hbm4b:s1+s3], $0x80, v5, vm0, $0xb8;
	[tilespmem:$0x14480] =	vst v63  }
0xdc: {  	_ =	swait.ge [sflag:s24], $0x6000  }
0xdd: {  	[sflag:s24] =	ssyncset.done $0x0  }
0xde: {  	[sflag:s24] =	ssyncadd.s32 $0xFFFFA000  }
0xdf: {  	_ =	swait.ge [sflag:s24], $0x6000  }
0xe0: {  	[sflag:s24] =	ssyncset.done $0x0  }
0xe1: {  	[sflag:s24] =	ssyncadd.s32 $0xFFFFA000  }
0xe2: {  	_ =	swait.ge [sflag:s24], $0x6000  }
0xe3: {  	[sflag:s24] =	ssyncset.done $0x0  }
0xe4: {  	[sflag:s24] =	ssyncadd.s32 $0xFFFFA000  }
0xe5: {  	[hbm4b:s5+s3] =	stream.linear.scatter [tilespmem:s10], [sflag:$0x2], $0x12000, $0x38;
	[tilespmem:$0x14480] =	vst v63  }
0xe6: {  	_ =	swait.ge [sflag:s9], $0x12000  }
0xe7: {  	[sflag:s9] =	ssyncset.done $0x0  }
0xe8: {  	[sflag:s9] =	ssyncadd.s32 $0xFFFEE000  }
0xe9: {  	[bflag:$0x0] =	sbarrier.arrive $0xFFFF  }
0xea: {  	[spmem:s2] =	stream.indirect.scatter.add.f32 [tilespmem:s26], [sflag:$0x2], $0x1, s3, s25, $0xb8;
	[tilespmem:$0x14480] =	vst v63  }
0xeb: {  	_ =	swait.ge [sflag:s9], $0x60  }
0xec: {  	[sflag:s9] =	ssyncset.done $0x0  }
0xed: {  	[sflag:s9] =	ssyncadd.s32 $0xFFFFFFA0  }
0xee: {  	[spmem:s2] =	stream.indirect.scatter.add.f32 [tilespmem:s26], [sflag:$0x2], $0x1, s28, s25, $0xb8;
	[tilespmem:$0x14480] =	vst v63  }
0xef: {  	_ =	swait.ge [sflag:s9], $0x60  }
0xf0: {  	[sflag:s9] =	ssyncset.done $0x0  }
0xf1: {  	[sflag:s9] =	ssyncadd.s32 $0xFFFFFFA0  }
0xf2: {  	[spmem:s2] =	stream.indirect.scatter.add.f32 [tilespmem:s26], [sflag:$0x2], $0x1, s29, s25, $0xb8;
	[tilespmem:$0x14480] =	vst v63  }
0xf3: {  	s30 =	sadd.s32 $0x1, s30;
	_ =	swait.ge [sflag:s9], $0x60  }
0xf4: {  	p1 =	sne.s32 s30, s7;
	s0 =	sshrl.u32 @!p0 s2, $0x3;
	[sflag:s9] =	ssyncset.done $0x0  }
0xf5: {  	s8 =	simm.s32 @!p0 $0x20;
	s11 =	simm.s32 @!p0 $0x10;
	[sflag:s9] =	ssyncadd.s32 $0xFFFFFFA0  }
0xf6: {  	s12 =	simm.s32 @!p0 $0x1C02;
	s31 =	simm.s32 @!p0 $0x1;
	[bflag:$0x0] =	sbarrier.arrive $0xFFFF  }
0xf7: {  	[hbm:s6@s8], [sflag:s12] =	dma.strided @!p0 [spmem:s0@s11], $0x400, s31, $0x10   }
.Ltmp1:
0xf8: {  	_ = 	snop;
	(pc) =	sbr.rel @!p1 .LBB2_6-.Ltmp1, $4  }
0xf9: {  	s0 =	simm.s32 @!p0 $0x2  }
0xfa: {  	_ =	swait.ge @!p0 [sflag:s0], $0x400  }
0xfb: {  	[sflag:s0] =	ssyncset.done @!p0 $0x0  }
0xfc: {  	[sflag:s0] =	ssyncadd.s32 @!p0 $0xFFFFFC00  }
.LBB2_1:
.Ltmp2:
0xfd: {  	(pc) =	sbr.rel @p0 .LBB2_5-.Ltmp2, $1  }
0xfe: {  	_ =	sdelay $0x3  }
0xff: {  	s31 =	simm.s32 $0x40;
	s0 =	simm.s32 $0x0  }
.LBB2_3:
0x100: {  	p1 =	sne.s32 s31, $0x7FC0;
	[tilespmem:s0+$0x12280] =	vst v0;
	s0 =	smov.u32 s31;
	s31 =	sadd.s32 $0x40, s31  }
.Ltmp3:
0x101: {  	(pc) =	sbr.rel @p1 .LBB2_3-.Ltmp3, $2  }
0x102: {  	_ =	sdelay $0x2  }
0x103: {  	s0 =	sshra.s32 s0, $0x2  }
.Ltmp4:
0x104: {  	[tilespmem:s0+$0x12280] =	vst v0;
	s31 =	simm.s32 $0x12280;
	(pc) =	sbr.rel .LBB2_5-.Ltmp4, $4  }
0x105: {  	[spmem:s2] =	stream.linear.scatter [tilespmem:s31], [sflag:$0x2], $0x2000, $0x38;
	[tilespmem:$0x14480] =	vst v63  }
0x106: {  	_ =	swait.ge [sflag:s9], $0x2000  }
0x107: {  	[sflag:s9] =	ssyncset.done $0x0  }
0x108: {  	[sflag:s9] =	ssyncadd.s32 $0xFFFFE000  }
.LBB2_6:
0x109: {  	_ =	sfence.sel $0x180000  }
0x10a: {  	[bflag:$0x0] =	sbarrier.arrive $0xFFFF  }
0x10b: {  	_ =	strace $0x90000047  }
0x10c: {  	[bflag:$0x2] =	sbarrier.arrive $0xFFFF  }
0x10d: {  	s0 =	rddreg [dreg:$0x4]  }
0x10e: {  	s0 =	sadd.s32 @!p0 $0x100000, s0  }
0x10f: {  	[sflag:s0] =	ssyncadd.tile.s32 @!p0 $0x1;
	_ =	shalt  }
.Lfunc_end2:
_tile_overlayer_lowered:
.L_overlay_start_2:
0x110: {  	(tag) =	ssettag $0x2  }
0x111: {  	s0 =	rddreg [dreg:$0x0];
	s2 =	stileid.u32  }
0x112: {  	s1 =	rddreg [dreg:$0x1];
	p0 =	sne.s32 s2, $0x0  }
0x113: {  	s3 =	rddreg [dreg:$0x2];
	[bflag:$0x3] =	sbarrier.arrive $0xFFFF;
	s2 =	simm.s32 @!p0 $0x1C02  }
0x114: {  	[timem:s3], [sflag:s2] =	dma.local @!p0 [hbm:s0], s1  }
0x115: {  	s0 =	simm.s32 @!p0 $0x2  }
0x116: {  	_ =	swait.ge @!p0 [sflag:s0], s1  }
0x117: {  	s1 =	ssub.s32 @!p0 $0x0, s1;
	[sflag:s0] =	ssyncset.done @!p0 $0x0  }
0x118: {  	[sflag:s0] =	ssyncadd.s32 @!p0 s1  }
0x119: {  	[bflag:$0x3] =	sbarrier.arrive $0xFFFF  }
0x11a: {  	_ =	shalt  }

</sc_bundles>
